<compile_context>
chip_gen: v7x
topology: tpu7x:2x2x1
jax: 0.10.2.dev20260603
libtpu: 0.0.44.dev20260713+nightly
codegen_flags: <defaults>
</compile_context>

<pallas_src>
import functools

import jax
import jax.numpy as jnp
from jax import lax
from jax.experimental import pallas as pl
from jax.experimental.pallas import tpu as pltpu
from jax.experimental.pallas import tpu_sc as plsc

N = 10000
E = 320000
D = 128

NC = 2
NS = 16
LANES = 16

NTILE = NC * NS
EPT = E // NTILE
CHUNK = 80
NCHUNK = EPT // CHUNK
NPAD = 10240
VPS = NPAD // NS


def _sc_segment_sum(edge_features, ei3):
    mesh = plsc.VectorSubcoreMesh(core_axis_name="c", subcore_axis_name="s")

    @functools.partial(
        pl.kernel,
        out_type=jax.ShapeDtypeStruct((NC, NPAD, D), jnp.float32),
        mesh=mesh,
        scratch_types=[
            pltpu.VMEM((EPT,), jnp.int32),
            pltpu.VMEM((CHUNK, D), jnp.float32),
            pltpu.VMEM((CHUNK, D), jnp.float32),
            pltpu.VMEM((CHUNK, D), jnp.float32),
            pltpu.VMEM_SHARED((NPAD, D), jnp.float32),
            pltpu.SemaphoreType.DMA,
            pltpu.SemaphoreType.DMA,
            pltpu.SemaphoreType.DMA,
            pltpu.SemaphoreType.DMA,
            pltpu.SemaphoreType.DMA,
            pltpu.SemaphoreType.DMA,
            pltpu.SemaphoreType.DMA,
        ],
    )
    def k(ef_hbm, ei_hbm, out_hbm, idx_v, b0, b1, b2, accum,
          l0, l1, l2, s0, s1, s2, sem_i):
        c = lax.axis_index("c")
        s = lax.axis_index("s")
        bid = c * NS + s
        base = bid * EPT

        def _ld(x, buf, lsem):
            pltpu.async_copy(ef_hbm.at[pl.ds(base + x * CHUNK, CHUNK)], buf, lsem)

        def _lwait(buf, lsem):
            pltpu.make_async_copy(ef_hbm.at[pl.ds(0, CHUNK)], buf, lsem).wait()

        def _sc(x, buf, ssem):
            pltpu.async_copy(
                buf, accum.at[idx_v.at[pl.ds(x * CHUNK, CHUNK)]], ssem, add=True
            )

        pltpu.async_copy(ei_hbm.at[1, bid], idx_v, sem_i)
        _ld(0, b1, l1)
        _ld(1, b2, l2)

        @pl.loop(0, CHUNK)
        def _(r):
            @pl.loop(0, D, step=LANES)
            def _(l):
                b0[r, pl.ds(l, LANES)] = jnp.zeros((LANES,), jnp.float32)

        @pl.loop(0, VPS, step=CHUNK)
        def _(r0):
            pltpu.sync_copy(b0, accum.at[pl.ds(s * VPS + r0, CHUNK)])

        pltpu.make_async_copy(ei_hbm.at[0, 0], idx_v, sem_i).wait()
        plsc.subcore_barrier()

        _ld(2, b0, l0)
        _lwait(b1, l1)
        _sc(0, b1, s1)

        @pl.loop(1, 121, step=3)
        def _(x):
            _lwait(b2, l2)
            _sc(x, b2, s2)
            _lwait(b1, s1)
            _ld(x + 2, b1, l1)

            _lwait(b0, l0)
            _sc(x + 1, b0, s0)
            _lwait(b2, s2)
            _ld(x + 3, b2, l2)

            _lwait(b1, l1)
            _sc(x + 2, b1, s1)
            _lwait(b0, s0)
            _ld(x + 4, b0, l0)

        _lwait(b2, l2)
        _sc(121, b2, s2)
        _lwait(b1, s1)
        _ld(123, b1, l1)

        _lwait(b0, l0)
        _sc(122, b0, s0)
        _lwait(b2, s2)
        _ld(124, b2, l2)

        _lwait(b1, l1)
        _sc(123, b1, s1)
        _lwait(b0, s0)

        _lwait(b2, l2)
        _sc(124, b2, s2)
        _lwait(b1, s1)
        _lwait(b2, s2)

        plsc.subcore_barrier()

        pltpu.sync_copy(
            accum.at[pl.ds(s * VPS, VPS)], out_hbm.at[c].at[pl.ds(s * VPS, VPS)]
        )

    return k(edge_features, ei3)


BR = 2000


def _mm1_block(vf_ref, w1a_ref, b1_ref, h1_ref):
    h1_ref[...] = (
        jnp.dot(vf_ref[...], w1a_ref[...], preferred_element_type=jnp.float32)
        + b1_ref[...]
    ).astype(jnp.bfloat16)


def _tc_mm1(vertex_features, W1, b1):
    return pl.pallas_call(
        _mm1_block,
        grid=(N // BR,),
        in_specs=[
            pl.BlockSpec((BR, D), lambda i: (i, 0)),
            pl.BlockSpec((D, D), lambda i: (0, 0)),
            pl.BlockSpec((1, D), lambda i: (0, 0)),
        ],
        out_specs=pl.BlockSpec((BR, D), lambda i: (i, 0)),
        out_shape=jax.ShapeDtypeStruct((N, D), jnp.bfloat16),
    )(vertex_features, W1[:D], b1.reshape(1, D))


def _mlp_block(h1_ref, p_ref, w1b_ref, w2_ref, b2_ref, o_ref):
    aggr = p_ref[0] + p_ref[1]
    h = h1_ref[...].astype(jnp.float32) + jnp.dot(
        aggr, w1b_ref[...], preferred_element_type=jnp.float32
    )
    h = jnp.maximum(h, 0.0)
    o_ref[...] = (
        jnp.dot(h, w2_ref[...], preferred_element_type=jnp.float32) + b2_ref[...]
    )


def _tc_mlp(h1, partials, W1, W2, b2):
    return pl.pallas_call(
        _mlp_block,
        grid=(N // BR,),
        in_specs=[
            pl.BlockSpec((BR, D), lambda i: (i, 0)),
            pl.BlockSpec((NC, BR, D), lambda i: (0, i, 0)),
            pl.BlockSpec((D, D), lambda i: (0, 0)),
            pl.BlockSpec((D, D), lambda i: (0, 0)),
            pl.BlockSpec((1, D), lambda i: (0, 0)),
        ],
        out_specs=pl.BlockSpec((BR, D), lambda i: (i, 0)),
        out_shape=jax.ShapeDtypeStruct((N, D), jnp.float32),
    )(h1, partials, W1[D:], W2, b2.reshape(1, D))


@jax.jit
def kernel(vertex_features, edge_features, edge_index, W1, b1, W2, b2):
    ei3 = edge_index.reshape(2, NTILE, EPT)
    h1 = _tc_mm1(vertex_features, W1, b1)
    partials = _sc_segment_sum(edge_features, ei3)
    return _tc_mlp(h1, partials, W1, W2, b2)

# --- scband reference (transcript-rebuilt; emitter-appended) ---
"""Pipeline reference for scband-vertex-module-13391708029604 (READ-ONLY COPY).

The authoritative reference and input builder live on the scoring server;
editing this copy changes nothing except your own understanding.
"""

import jax, jax.numpy as jnp
import numpy as np

N = 10000
E = 320000
D = 128  # hidden_dim


def setup_inputs(seed: int = 0) -> dict:
    key = jax.random.key(seed)
    k1, k2, k3, k4, k5 = jax.random.split(key, 5)
    vertex_features = jax.random.normal(k1, (N, D), dtype=jnp.float32)
    edge_features = jax.random.normal(k2, (E, D), dtype=jnp.float32)
    edge_index = jax.random.randint(k3, (2, E), 0, N)
    # MLP params: Linear(2D -> D) + ReLU + Linear(D -> D)
    W1 = jax.random.normal(k4, (2 * D, D), dtype=jnp.float32) * (1.0 / np.sqrt(2 * D))
    b1 = jnp.zeros((D,), dtype=jnp.float32)
    W2 = jax.random.normal(k5, (D, D), dtype=jnp.float32) * (1.0 / np.sqrt(D))
    b2 = jnp.zeros((D,), dtype=jnp.float32)
    return {
        "vertex_features": vertex_features,
        "edge_features": edge_features,
        "edge_index": edge_index,
        "W1": W1,
        "b1": b1,
        "W2": W2,
        "b2": b2,
    }


def reference(vertex_features, edge_features, edge_index, W1, b1, W2, b2):
    num_vertex = vertex_features.shape[0]
    receivers_idx = edge_index[1]
    # scatter(edge_features, receivers_idx, dim=0, dim_size=num_vertex, reduce='sum')
    aggr_edge_features = jax.ops.segment_sum(
        edge_features, receivers_idx, num_segments=num_vertex
    )
    collected_features = jnp.concatenate([vertex_features, aggr_edge_features], axis=-1)
    h = jax.nn.relu(collected_features @ W1 + b1)
    out = h @ W2 + b2
    return out

if __name__ == "__main__":
    import jax
    _d = setup_inputs()
    print(jax.jit(kernel)(*tuple(_d.values())))

</pallas_src>

<mosaic_0001>
#map = affine_map<(d0, d1) -> (0, 0)>
#map1 = affine_map<(d0, d1) -> (0, 0, 0)>
module attributes {stable_mosaic.version = 14 : i64} {
  func.func @k(%arg0: i32, %arg1: i32, %arg2: memref<320000x128xf32, #tpu.memory_space<hbm>>, %arg3: memref<2x32x10000xi32, #tpu.memory_space<hbm>>, %arg4: memref<2x10240x128xf32, #tpu.memory_space<hbm>>, %arg5: memref<10000xi32, #tpu.memory_space<vmem>>, %arg6: memref<80x128xf32, #tpu.memory_space<vmem>>, %arg7: memref<80x128xf32, #tpu.memory_space<vmem>>, %arg8: memref<80x128xf32, #tpu.memory_space<vmem>>, %arg9: memref<10240x128xf32, #tpu.memory_space<vmem_shared>>, %arg10: memref<!tpu.dma_semaphore, #tpu.memory_space<semaphore_mem>>, %arg11: memref<!tpu.dma_semaphore, #tpu.memory_space<semaphore_mem>>, %arg12: memref<!tpu.dma_semaphore, #tpu.memory_space<semaphore_mem>>, %arg13: memref<!tpu.dma_semaphore, #tpu.memory_space<semaphore_mem>>, %arg14: memref<!tpu.dma_semaphore, #tpu.memory_space<semaphore_mem>>, %arg15: memref<!tpu.dma_semaphore, #tpu.memory_space<semaphore_mem>>, %arg16: memref<!tpu.dma_semaphore, #tpu.memory_space<semaphore_mem>>) attributes {dimension_semantics = [#tpu.dimension_semantics<core_parallel>, #tpu.dimension_semantics<subcore_parallel>], iteration_bounds = array<i64: 2, 16>, scalar_prefetch = 0 : i64, scratch_operands = 12 : i64, tpu.core_type = #tpu.core_type<sc_vector_subcore>, window_params = [{transform_indices = #map}, {transform_indices = #map1}, {transform_indices = #map1}]} {
    %mul3A = arith.constant 16 : i32
    %mul3A_0 = arith.muli %arg0, %mul3A : i32
    %add3A = arith.addi %mul3A_0, %arg1 : i32
    %mul3A_1 = arith.constant 10000 : i32
    %mul3A_2 = arith.muli %add3A, %mul3A_1 : i32
    %dma_start3A = arith.constant 1 : i32
    %dma_start3A_3 = arith.constant 0 : i32
    %dma_start3A_4 = tpu.memref_slice %arg3[%dma_start3A, %add3A, %dma_start3A_3] : memref<2x32x10000xi32, #tpu.memory_space<hbm>> -> memref<1x1x10000xi32, #tpu.memory_space<hbm>>
    %dma_start3A_5 = tpu.memref_squeeze %dma_start3A_4 : memref<1x1x10000xi32, #tpu.memory_space<hbm>> -> memref<10000xi32, #tpu.memory_space<hbm>>
    %dma_start3A_6 = arith.constant 0 : i32
    %dma_start3A_7 = tpu.memref_slice %arg3[%dma_start3A, %add3A, %dma_start3A_6] : memref<2x32x10000xi32, #tpu.memory_space<hbm>> -> memref<1x1x10000xi32, #tpu.memory_space<hbm>>
    %dma_start3A_8 = tpu.memref_squeeze %dma_start3A_7 : memref<1x1x10000xi32, #tpu.memory_space<hbm>> -> memref<10000xi32, #tpu.memory_space<hbm>>
    tpu.enqueue_dma source(%dma_start3A_8 : memref<10000xi32, #tpu.memory_space<hbm>>) target(%arg5 : memref<10000xi32, #tpu.memory_space<vmem>>) target_semaphore(%arg16 : memref<!tpu.dma_semaphore, #tpu.memory_space<semaphore_mem>>)
    %add3A_9 = arith.constant 0 : i32
    %add3A_10 = arith.addi %mul3A_2, %add3A_9 : i32
    %dma_start3A_11 = arith.constant 0 : i32
    %dma_start3A_12 = tpu.memref_slice %arg2[%add3A_10, %dma_start3A_11] : memref<320000x128xf32, #tpu.memory_space<hbm>> -> memref<80x128xf32, #tpu.memory_space<hbm>>
    %dma_start3A_13 = arith.constant 0 : i32
    %dma_start3A_14 = tpu.memref_slice %arg2[%add3A_10, %dma_start3A_13] : memref<320000x128xf32, #tpu.memory_space<hbm>> -> memref<80x128xf32, #tpu.memory_space<hbm>>
    tpu.enqueue_dma source(%dma_start3A_14 : memref<80x128xf32, #tpu.memory_space<hbm>>) target(%arg7 : memref<80x128xf32, #tpu.memory_space<vmem>>) target_semaphore(%arg11 : memref<!tpu.dma_semaphore, #tpu.memory_space<semaphore_mem>>)
    %add3A_15 = arith.constant 80 : i32
    %add3A_16 = arith.addi %mul3A_2, %add3A_15 : i32
    %dma_start3A_17 = arith.constant 0 : i32
    %dma_start3A_18 = tpu.memref_slice %arg2[%add3A_16, %dma_start3A_17] : memref<320000x128xf32, #tpu.memory_space<hbm>> -> memref<80x128xf32, #tpu.memory_space<hbm>>
    %dma_start3A_19 = arith.constant 0 : i32
    %dma_start3A_20 = tpu.memref_slice %arg2[%add3A_16, %dma_start3A_19] : memref<320000x128xf32, #tpu.memory_space<hbm>> -> memref<80x128xf32, #tpu.memory_space<hbm>>
    tpu.enqueue_dma source(%dma_start3A_20 : memref<80x128xf32, #tpu.memory_space<hbm>>) target(%arg8 : memref<80x128xf32, #tpu.memory_space<vmem>>) target_semaphore(%arg12 : memref<!tpu.dma_semaphore, #tpu.memory_space<semaphore_mem>>)
    %scan3A = arith.constant 0 : i32
    %scan3A_21 = arith.constant 80 : i32
    %scan3A_22 = arith.addi %scan3A, %scan3A_21 : i32
    %scan3A_23 = arith.constant 1 : i32
    scf.for %scan3A_150 = %scan3A to %scan3A_22 step %scan3A_23  : i32 {
      %mul3A_151 = arith.constant 1 : i32
      %mul3A_152 = arith.muli %scan3A_150, %mul3A_151 : i32
      %add3A_153 = arith.constant 0 : i32
      %add3A_154 = arith.addi %add3A_153, %mul3A_152 : i32
      %scan3A_155 = arith.constant 0 : i32
      %scan3A_156 = arith.constant 8 : i32
      %scan3A_157 = arith.addi %scan3A_155, %scan3A_156 : i32
      %scan3A_158 = arith.constant 1 : i32
      scf.for %scan3A_160 = %scan3A_155 to %scan3A_157 step %scan3A_158  : i32 {
        %mul3A_161 = arith.constant 16 : i32
        %mul3A_162 = arith.muli %scan3A_160, %mul3A_161 : i32
        %add3A_163 = arith.constant 0 : i32
        %add3A_164 = arith.addi %add3A_163, %mul3A_162 : i32
        %broadcast_in_dim3A = arith.constant 0.000000e+00 : f32
        %broadcast_in_dim3A_165 = vector.broadcast %broadcast_in_dim3A : f32 to vector<16xf32>
        %swap3A = arith.index_cast %add3A_154 : i32 to index
        %swap3A_166 = arith.index_cast %add3A_164 : i32 to index
        %swap3A_167 = tpu.vector_load %arg6[%swap3A, %swap3A_166] {strides = array<i32>} : memref<80x128xf32, #tpu.memory_space<vmem>>, vector<1x16xf32>,
        %swap3A_168 = vector.shape_cast %swap3A_167 : vector<1x16xf32> to vector<16xf32>
        %swap3A_169 = vector.shape_cast %broadcast_in_dim3A_165 : vector<16xf32> to vector<1x16xf32>
        tpu.vector_store %arg6[%swap3A, %swap3A_166], %swap3A_169 {strides = array<i32>} : memref<80x128xf32, #tpu.memory_space<vmem>>, vector<1x16xf32>,
      }
      %scan3A_159 = arith.constant 8 : i32
    }
    %scan3A_24 = arith.constant 80 : i32
    %scan3A_25 = arith.constant 0 : i32
    %scan3A_26 = arith.constant 8 : i32
    %scan3A_27 = arith.addi %scan3A_25, %scan3A_26 : i32
    %scan3A_28 = arith.constant 1 : i32
    scf.for %scan3A_150 = %scan3A_25 to %scan3A_27 step %scan3A_28  : i32 {
      %mul3A_151 = arith.constant 80 : i32
      %mul3A_152 = arith.muli %scan3A_150, %mul3A_151 : i32
      %add3A_153 = arith.constant 0 : i32
      %add3A_154 = arith.addi %add3A_153, %mul3A_152 : i32
      %mul3A_155 = arith.constant 640 : i32
      %mul3A_156 = arith.muli %arg1, %mul3A_155 : i32
      %add3A_157 = arith.addi %mul3A_156, %add3A_154 : i32
      "tpu.region"() ({
        %run_scoped3A = tpu.sem_alloc : memref<!tpu.dma_semaphore, #tpu.memory_space<semaphore_mem>>
        %dma_start3A_158 = arith.constant 0 : i32
        %dma_start3A_159 = tpu.memref_slice %arg9[%add3A_157, %dma_start3A_158] : memref<10240x128xf32, #tpu.memory_space<vmem_shared>> -> memref<80x128xf32, #tpu.memory_space<vmem_shared>>
        %dma_start3A_160 = arith.constant 0 : i32
        %dma_start3A_161 = tpu.memref_slice %arg9[%add3A_157, %dma_start3A_160] : memref<10240x128xf32, #tpu.memory_space<vmem_shared>> -> memref<80x128xf32, #tpu.memory_space<vmem_shared>>
        tpu.enqueue_dma source(%arg6 : memref<80x128xf32, #tpu.memory_space<vmem>>) target(%dma_start3A_161 : memref<80x128xf32, #tpu.memory_space<vmem_shared>>) target_semaphore(%run_scoped3A : memref<!tpu.dma_semaphore, #tpu.memory_space<semaphore_mem>>)
        %dma_wait3A_162 = arith.constant 0 : i32
        %dma_wait3A_163 = tpu.memref_slice %arg9[%add3A_157, %dma_wait3A_162] : memref<10240x128xf32, #tpu.memory_space<vmem_shared>> -> memref<80x128xf32, #tpu.memory_space<vmem_shared>>
        %dma_wait3A_164 = arith.constant 0 : i32
        %dma_wait3A_165 = tpu.memref_slice %arg9[%add3A_157, %dma_wait3A_164] : memref<10240x128xf32, #tpu.memory_space<vmem_shared>> -> memref<80x128xf32, #tpu.memory_space<vmem_shared>>
        tpu.wait_dma2 semaphore(%run_scoped3A : memref<!tpu.dma_semaphore, #tpu.memory_space<semaphore_mem>>) src(%arg6 : memref<80x128xf32, #tpu.memory_space<vmem>>) dst(%dma_wait3A_165 : memref<80x128xf32, #tpu.memory_space<vmem_shared>>)
        tpu.yield
      }) : () -> ()
    }
    %scan3A_29 = arith.constant 8 : i32
    %dma_wait3A = arith.constant 0 : i32
    %dma_wait3A_30 = arith.constant 0 : i32
    %dma_wait3A_31 = arith.constant 0 : i32
    %dma_wait3A_32 = tpu.memref_slice %arg3[%dma_wait3A, %dma_wait3A_30, %dma_wait3A_31] : memref<2x32x10000xi32, #tpu.memory_space<hbm>> -> memref<1x1x10000xi32, #tpu.memory_space<hbm>>
    %dma_wait3A_33 = tpu.memref_squeeze %dma_wait3A_32 : memref<1x1x10000xi32, #tpu.memory_space<hbm>> -> memref<10000xi32, #tpu.memory_space<hbm>>
    %dma_wait3A_34 = arith.constant 0 : i32
    %dma_wait3A_35 = tpu.memref_slice %arg3[%dma_wait3A, %dma_wait3A_30, %dma_wait3A_34] : memref<2x32x10000xi32, #tpu.memory_space<hbm>> -> memref<1x1x10000xi32, #tpu.memory_space<hbm>>
    %dma_wait3A_36 = tpu.memref_squeeze %dma_wait3A_35 : memref<1x1x10000xi32, #tpu.memory_space<hbm>> -> memref<10000xi32, #tpu.memory_space<hbm>>
    tpu.wait_dma2 semaphore(%arg16 : memref<!tpu.dma_semaphore, #tpu.memory_space<semaphore_mem>>) src(%dma_wait3A_36 : memref<10000xi32, #tpu.memory_space<hbm>>) dst(%arg5 : memref<10000xi32, #tpu.memory_space<vmem>>)
    %barrier3A = arith.constant 0 : index
    tpu.barrier barrier_id(%barrier3A)
    %add3A_37 = arith.constant 160 : i32
    %add3A_38 = arith.addi %mul3A_2, %add3A_37 : i32
    %dma_start3A_39 = arith.constant 0 : i32
    %dma_start3A_40 = tpu.memref_slice %arg2[%add3A_38, %dma_start3A_39] : memref<320000x128xf32, #tpu.memory_space<hbm>> -> memref<80x128xf32, #tpu.memory_space<hbm>>
    %dma_start3A_41 = arith.constant 0 : i32
    %dma_start3A_42 = tpu.memref_slice %arg2[%add3A_38, %dma_start3A_41] : memref<320000x128xf32, #tpu.memory_space<hbm>> -> memref<80x128xf32, #tpu.memory_space<hbm>>
    tpu.enqueue_dma source(%dma_start3A_42 : memref<80x128xf32, #tpu.memory_space<hbm>>) target(%arg6 : memref<80x128xf32, #tpu.memory_space<vmem>>) target_semaphore(%arg10 : memref<!tpu.dma_semaphore, #tpu.memory_space<semaphore_mem>>)
    %dma_wait3A_43 = arith.constant 0 : i32
    %dma_wait3A_44 = arith.constant 0 : i32
    %dma_wait3A_45 = tpu.memref_slice %arg2[%dma_wait3A_43, %dma_wait3A_44] : memref<320000x128xf32, #tpu.memory_space<hbm>> -> memref<80x128xf32, #tpu.memory_space<hbm>>
    %dma_wait3A_46 = arith.constant 0 : i32
    %dma_wait3A_47 = arith.constant 0 : i32
    %dma_wait3A_48 = tpu.memref_slice %arg2[%dma_wait3A_46, %dma_wait3A_47] : memref<320000x128xf32, #tpu.memory_space<hbm>> -> memref<80x128xf32, #tpu.memory_space<hbm>>
    tpu.wait_dma2 semaphore(%arg11 : memref<!tpu.dma_semaphore, #tpu.memory_space<semaphore_mem>>) src(%dma_wait3A_48 : memref<80x128xf32, #tpu.memory_space<hbm>>) dst(%arg7 : memref<80x128xf32, #tpu.memory_space<vmem>>)
    %dma_start3A_49 = arith.constant 0 : i32
    %dma_start3A_50 = tpu.memref_slice %arg5[%dma_start3A_49] : memref<10000xi32, #tpu.memory_space<vmem>> -> memref<80xi32, #tpu.memory_space<vmem>>
    %dma_start3A_51 = arith.constant 0 : i32
    %dma_start3A_52 = arith.constant 0 : i32
    %dma_start3A_53 = tpu.memref_slice %arg9[%dma_start3A_51, %dma_start3A_52] : memref<10240x128xf32, #tpu.memory_space<vmem_shared>> -> memref<10240x128xf32, #tpu.memory_space<vmem_shared>>
    tpu.enqueue_indirect_dma source(%arg7 : memref<80x128xf32, #tpu.memory_space<vmem>>) target(%dma_start3A_53 : memref<10240x128xf32, #tpu.memory_space<vmem_shared>>) offsets(%dma_start3A_50 : memref<80xi32, #tpu.memory_space<vmem>>) semaphore(%arg14 : memref<!tpu.dma_semaphore, #tpu.memory_space<semaphore_mem>>) {add = true}
    %scan3A_54 = arith.constant 0 : i32
    %scan3A_55 = arith.constant 40 : i32
    %scan3A_56 = arith.addi %scan3A_54, %scan3A_55 : i32
    %scan3A_57 = arith.constant 1 : i32
    scf.for %scan3A_150 = %scan3A_54 to %scan3A_56 step %scan3A_57  : i32 {
      %mul3A_151 = arith.constant 3 : i32
      %mul3A_152 = arith.muli %scan3A_150, %mul3A_151 : i32
      %add3A_153 = arith.constant 1 : i32
      %add3A_154 = arith.addi %add3A_153, %mul3A_152 : i32
      %dma_wait3A_155 = arith.constant 0 : i32
      %dma_wait3A_156 = arith.constant 0 : i32
      %dma_wait3A_157 = tpu.memref_slice %arg2[%dma_wait3A_155, %dma_wait3A_156] : memref<320000x128xf32, #tpu.memory_space<hbm>> -> memref<80x128xf32, #tpu.memory_space<hbm>>
      %dma_wait3A_158 = arith.constant 0 : i32
      %dma_wait3A_159 = arith.constant 0 : i32
      %dma_wait3A_160 = tpu.memref_slice %arg2[%dma_wait3A_158, %dma_wait3A_159] : memref<320000x128xf32, #tpu.memory_space<hbm>> -> memref<80x128xf32, #tpu.memory_space<hbm>>
      tpu.wait_dma2 semaphore(%arg12 : memref<!tpu.dma_semaphore, #tpu.memory_space<semaphore_mem>>) src(%dma_wait3A_160 : memref<80x128xf32, #tpu.memory_space<hbm>>) dst(%arg8 : memref<80x128xf32, #tpu.memory_space<vmem>>)
      %mul3A_161 = arith.constant 80 : i32
      %mul3A_162 = arith.muli %add3A_154, %mul3A_161 : i32
      %dma_start3A_163 = tpu.memref_slice %arg5[%mul3A_162] : memref<10000xi32, #tpu.memory_space<vmem>> -> memref<80xi32, #tpu.memory_space<vmem>>
      %dma_start3A_164 = arith.constant 0 : i32
      %dma_start3A_165 = arith.constant 0 : i32
      %dma_start3A_166 = tpu.memref_slice %arg9[%dma_start3A_164, %dma_start3A_165] : memref<10240x128xf32, #tpu.memory_space<vmem_shared>> -> memref<10240x128xf32, #tpu.memory_space<vmem_shared>>
      tpu.enqueue_indirect_dma source(%arg8 : memref<80x128xf32, #tpu.memory_space<vmem>>) target(%dma_start3A_166 : memref<10240x128xf32, #tpu.memory_space<vmem_shared>>) offsets(%dma_start3A_163 : memref<80xi32, #tpu.memory_space<vmem>>) semaphore(%arg15 : memref<!tpu.dma_semaphore, #tpu.memory_space<semaphore_mem>>) {add = true}
      %dma_wait3A_167 = arith.constant 0 : i32
      %dma_wait3A_168 = arith.constant 0 : i32
      %dma_wait3A_169 = tpu.memref_slice %arg2[%dma_wait3A_167, %dma_wait3A_168] : memref<320000x128xf32, #tpu.memory_space<hbm>> -> memref<80x128xf32, #tpu.memory_space<hbm>>
      %dma_wait3A_170 = arith.constant 0 : i32
      %dma_wait3A_171 = arith.constant 0 : i32
      %dma_wait3A_172 = tpu.memref_slice %arg2[%dma_wait3A_170, %dma_wait3A_171] : memref<320000x128xf32, #tpu.memory_space<hbm>> -> memref<80x128xf32, #tpu.memory_space<hbm>>
      tpu.wait_dma2 semaphore(%arg14 : memref<!tpu.dma_semaphore, #tpu.memory_space<semaphore_mem>>) src(%dma_wait3A_172 : memref<80x128xf32, #tpu.memory_space<hbm>>) dst(%arg7 : memref<80x128xf32, #tpu.memory_space<vmem>>)
      %add3A_173 = arith.constant 2 : i32
      %add3A_174 = arith.addi %add3A_154, %add3A_173 : i32
      %mul3A_175 = arith.constant 80 : i32
      %mul3A_176 = arith.muli %add3A_174, %mul3A_175 : i32
      %add3A_177 = arith.addi %mul3A_2, %mul3A_176 : i32
      %dma_start3A_178 = arith.constant 0 : i32
      %dma_start3A_179 = tpu.memref_slice %arg2[%add3A_177, %dma_start3A_178] : memref<320000x128xf32, #tpu.memory_space<hbm>> -> memref<80x128xf32, #tpu.memory_space<hbm>>
      %dma_start3A_180 = arith.constant 0 : i32
      %dma_start3A_181 = tpu.memref_slice %arg2[%add3A_177, %dma_start3A_180] : memref<320000x128xf32, #tpu.memory_space<hbm>> -> memref<80x128xf32, #tpu.memory_space<hbm>>
      tpu.enqueue_dma source(%dma_start3A_181 : memref<80x128xf32, #tpu.memory_space<hbm>>) target(%arg7 : memref<80x128xf32, #tpu.memory_space<vmem>>) target_semaphore(%arg11 : memref<!tpu.dma_semaphore, #tpu.memory_space<semaphore_mem>>)
      %dma_wait3A_182 = arith.constant 0 : i32
      %dma_wait3A_183 = arith.constant 0 : i32
      %dma_wait3A_184 = tpu.memref_slice %arg2[%dma_wait3A_182, %dma_wait3A_183] : memref<320000x128xf32, #tpu.memory_space<hbm>> -> memref<80x128xf32, #tpu.memory_space<hbm>>
      %dma_wait3A_185 = arith.constant 0 : i32
      %dma_wait3A_186 = arith.constant 0 : i32
      %dma_wait3A_187 = tpu.memref_slice %arg2[%dma_wait3A_185, %dma_wait3A_186] : memref<320000x128xf32, #tpu.memory_space<hbm>> -> memref<80x128xf32, #tpu.memory_space<hbm>>
      tpu.wait_dma2 semaphore(%arg10 : memref<!tpu.dma_semaphore, #tpu.memory_space<semaphore_mem>>) src(%dma_wait3A_187 : memref<80x128xf32, #tpu.memory_space<hbm>>) dst(%arg6 : memref<80x128xf32, #tpu.memory_space<vmem>>)
      %add3A_188 = arith.constant 1 : i32
      %add3A_189 = arith.addi %add3A_154, %add3A_188 : i32
      %mul3A_190 = arith.constant 80 : i32
      %mul3A_191 = arith.muli %add3A_189, %mul3A_190 : i32
      %dma_start3A_192 = tpu.memref_slice %arg5[%mul3A_191] : memref<10000xi32, #tpu.memory_space<vmem>> -> memref<80xi32, #tpu.memory_space<vmem>>
      %dma_start3A_193 = arith.constant 0 : i32
      %dma_start3A_194 = arith.constant 0 : i32
      %dma_start3A_195 = tpu.memref_slice %arg9[%dma_start3A_193, %dma_start3A_194] : memref<10240x128xf32, #tpu.memory_space<vmem_shared>> -> memref<10240x128xf32, #tpu.memory_space<vmem_shared>>
      tpu.enqueue_indirect_dma source(%arg6 : memref<80x128xf32, #tpu.memory_space<vmem>>) target(%dma_start3A_195 : memref<10240x128xf32, #tpu.memory_space<vmem_shared>>) offsets(%dma_start3A_192 : memref<80xi32, #tpu.memory_space<vmem>>) semaphore(%arg13 : memref<!tpu.dma_semaphore, #tpu.memory_space<semaphore_mem>>) {add = true}
      %dma_wait3A_196 = arith.constant 0 : i32
      %dma_wait3A_197 = arith.constant 0 : i32
      %dma_wait3A_198 = tpu.memref_slice %arg2[%dma_wait3A_196, %dma_wait3A_197] : memref<320000x128xf32, #tpu.memory_space<hbm>> -> memref<80x128xf32, #tpu.memory_space<hbm>>
      %dma_wait3A_199 = arith.constant 0 : i32
      %dma_wait3A_200 = arith.constant 0 : i32
      %dma_wait3A_201 = tpu.memref_slice %arg2[%dma_wait3A_199, %dma_wait3A_200] : memref<320000x128xf32, #tpu.memory_space<hbm>> -> memref<80x128xf32, #tpu.memory_space<hbm>>
      tpu.wait_dma2 semaphore(%arg15 : memref<!tpu.dma_semaphore, #tpu.memory_space<semaphore_mem>>) src(%dma_wait3A_201 : memref<80x128xf32, #tpu.memory_space<hbm>>) dst(%arg8 : memref<80x128xf32, #tpu.memory_space<vmem>>)
      %add3A_202 = arith.constant 3 : i32
      %add3A_203 = arith.addi %add3A_154, %add3A_202 : i32
      %mul3A_204 = arith.constant 80 : i32
      %mul3A_205 = arith.muli %add3A_203, %mul3A_204 : i32
      %add3A_206 = arith.addi %mul3A_2, %mul3A_205 : i32
      %dma_start3A_207 = arith.constant 0 : i32
      %dma_start3A_208 = tpu.memref_slice %arg2[%add3A_206, %dma_start3A_207] : memref<320000x128xf32, #tpu.memory_space<hbm>> -> memref<80x128xf32, #tpu.memory_space<hbm>>
      %dma_start3A_209 = arith.constant 0 : i32
      %dma_start3A_210 = tpu.memref_slice %arg2[%add3A_206, %dma_start3A_209] : memref<320000x128xf32, #tpu.memory_space<hbm>> -> memref<80x128xf32, #tpu.memory_space<hbm>>
      tpu.enqueue_dma source(%dma_start3A_210 : memref<80x128xf32, #tpu.memory_space<hbm>>) target(%arg8 : memref<80x128xf32, #tpu.memory_space<vmem>>) target_semaphore(%arg12 : memref<!tpu.dma_semaphore, #tpu.memory_space<semaphore_mem>>)
      %dma_wait3A_211 = arith.constant 0 : i32
      %dma_wait3A_212 = arith.constant 0 : i32
      %dma_wait3A_213 = tpu.memref_slice %arg2[%dma_wait3A_211, %dma_wait3A_212] : memref<320000x128xf32, #tpu.memory_space<hbm>> -> memref<80x128xf32, #tpu.memory_space<hbm>>
      %dma_wait3A_214 = arith.constant 0 : i32
      %dma_wait3A_215 = arith.constant 0 : i32
      %dma_wait3A_216 = tpu.memref_slice %arg2[%dma_wait3A_214, %dma_wait3A_215] : memref<320000x128xf32, #tpu.memory_space<hbm>> -> memref<80x128xf32, #tpu.memory_space<hbm>>
      tpu.wait_dma2 semaphore(%arg11 : memref<!tpu.dma_semaphore, #tpu.memory_space<semaphore_mem>>) src(%dma_wait3A_216 : memref<80x128xf32, #tpu.memory_space<hbm>>) dst(%arg7 : memref<80x128xf32, #tpu.memory_space<vmem>>)
      %add3A_217 = arith.constant 2 : i32
      %add3A_218 = arith.addi %add3A_154, %add3A_217 : i32
      %mul3A_219 = arith.constant 80 : i32
      %mul3A_220 = arith.muli %add3A_218, %mul3A_219 : i32
      %dma_start3A_221 = tpu.memref_slice %arg5[%mul3A_220] : memref<10000xi32, #tpu.memory_space<vmem>> -> memref<80xi32, #tpu.memory_space<vmem>>
      %dma_start3A_222 = arith.constant 0 : i32
      %dma_start3A_223 = arith.constant 0 : i32
      %dma_start3A_224 = tpu.memref_slice %arg9[%dma_start3A_222, %dma_start3A_223] : memref<10240x128xf32, #tpu.memory_space<vmem_shared>> -> memref<10240x128xf32, #tpu.memory_space<vmem_shared>>
      tpu.enqueue_indirect_dma source(%arg7 : memref<80x128xf32, #tpu.memory_space<vmem>>) target(%dma_start3A_224 : memref<10240x128xf32, #tpu.memory_space<vmem_shared>>) offsets(%dma_start3A_221 : memref<80xi32, #tpu.memory_space<vmem>>) semaphore(%arg14 : memref<!tpu.dma_semaphore, #tpu.memory_space<semaphore_mem>>) {add = true}
      %dma_wait3A_225 = arith.constant 0 : i32
      %dma_wait3A_226 = arith.constant 0 : i32
      %dma_wait3A_227 = tpu.memref_slice %arg2[%dma_wait3A_225, %dma_wait3A_226] : memref<320000x128xf32, #tpu.memory_space<hbm>> -> memref<80x128xf32, #tpu.memory_space<hbm>>
      %dma_wait3A_228 = arith.constant 0 : i32
      %dma_wait3A_229 = arith.constant 0 : i32
      %dma_wait3A_230 = tpu.memref_slice %arg2[%dma_wait3A_228, %dma_wait3A_229] : memref<320000x128xf32, #tpu.memory_space<hbm>> -> memref<80x128xf32, #tpu.memory_space<hbm>>
      tpu.wait_dma2 semaphore(%arg13 : memref<!tpu.dma_semaphore, #tpu.memory_space<semaphore_mem>>) src(%dma_wait3A_230 : memref<80x128xf32, #tpu.memory_space<hbm>>) dst(%arg6 : memref<80x128xf32, #tpu.memory_space<vmem>>)
      %add3A_231 = arith.constant 4 : i32
      %add3A_232 = arith.addi %add3A_154, %add3A_231 : i32
      %mul3A_233 = arith.constant 80 : i32
      %mul3A_234 = arith.muli %add3A_232, %mul3A_233 : i32
      %add3A_235 = arith.addi %mul3A_2, %mul3A_234 : i32
      %dma_start3A_236 = arith.constant 0 : i32
      %dma_start3A_237 = tpu.memref_slice %arg2[%add3A_235, %dma_start3A_236] : memref<320000x128xf32, #tpu.memory_space<hbm>> -> memref<80x128xf32, #tpu.memory_space<hbm>>
      %dma_start3A_238 = arith.constant 0 : i32
      %dma_start3A_239 = tpu.memref_slice %arg2[%add3A_235, %dma_start3A_238] : memref<320000x128xf32, #tpu.memory_space<hbm>> -> memref<80x128xf32, #tpu.memory_space<hbm>>
      tpu.enqueue_dma source(%dma_start3A_239 : memref<80x128xf32, #tpu.memory_space<hbm>>) target(%arg6 : memref<80x128xf32, #tpu.memory_space<vmem>>) target_semaphore(%arg10 : memref<!tpu.dma_semaphore, #tpu.memory_space<semaphore_mem>>)
    }
    %scan3A_58 = arith.constant 40 : i32
    %dma_wait3A_59 = arith.constant 0 : i32
    %dma_wait3A_60 = arith.constant 0 : i32
    %dma_wait3A_61 = tpu.memref_slice %arg2[%dma_wait3A_59, %dma_wait3A_60] : memref<320000x128xf32, #tpu.memory_space<hbm>> -> memref<80x128xf32, #tpu.memory_space<hbm>>
    %dma_wait3A_62 = arith.constant 0 : i32
    %dma_wait3A_63 = arith.constant 0 : i32
    %dma_wait3A_64 = tpu.memref_slice %arg2[%dma_wait3A_62, %dma_wait3A_63] : memref<320000x128xf32, #tpu.memory_space<hbm>> -> memref<80x128xf32, #tpu.memory_space<hbm>>
    tpu.wait_dma2 semaphore(%arg12 : memref<!tpu.dma_semaphore, #tpu.memory_space<semaphore_mem>>) src(%dma_wait3A_64 : memref<80x128xf32, #tpu.memory_space<hbm>>) dst(%arg8 : memref<80x128xf32, #tpu.memory_space<vmem>>)
    %dma_start3A_65 = arith.constant 9680 : i32
    %dma_start3A_66 = tpu.memref_slice %arg5[%dma_start3A_65] : memref<10000xi32, #tpu.memory_space<vmem>> -> memref<80xi32, #tpu.memory_space<vmem>>
    %dma_start3A_67 = arith.constant 0 : i32
    %dma_start3A_68 = arith.constant 0 : i32
    %dma_start3A_69 = tpu.memref_slice %arg9[%dma_start3A_67, %dma_start3A_68] : memref<10240x128xf32, #tpu.memory_space<vmem_shared>> -> memref<10240x128xf32, #tpu.memory_space<vmem_shared>>
    tpu.enqueue_indirect_dma source(%arg8 : memref<80x128xf32, #tpu.memory_space<vmem>>) target(%dma_start3A_69 : memref<10240x128xf32, #tpu.memory_space<vmem_shared>>) offsets(%dma_start3A_66 : memref<80xi32, #tpu.memory_space<vmem>>) semaphore(%arg15 : memref<!tpu.dma_semaphore, #tpu.memory_space<semaphore_mem>>) {add = true}
    %dma_wait3A_70 = arith.constant 0 : i32
    %dma_wait3A_71 = arith.constant 0 : i32
    %dma_wait3A_72 = tpu.memref_slice %arg2[%dma_wait3A_70, %dma_wait3A_71] : memref<320000x128xf32, #tpu.memory_space<hbm>> -> memref<80x128xf32, #tpu.memory_space<hbm>>
    %dma_wait3A_73 = arith.constant 0 : i32
    %dma_wait3A_74 = arith.constant 0 : i32
    %dma_wait3A_75 = tpu.memref_slice %arg2[%dma_wait3A_73, %dma_wait3A_74] : memref<320000x128xf32, #tpu.memory_space<hbm>> -> memref<80x128xf32, #tpu.memory_space<hbm>>
    tpu.wait_dma2 semaphore(%arg14 : memref<!tpu.dma_semaphore, #tpu.memory_space<semaphore_mem>>) src(%dma_wait3A_75 : memref<80x128xf32, #tpu.memory_space<hbm>>) dst(%arg7 : memref<80x128xf32, #tpu.memory_space<vmem>>)
    %add3A_76 = arith.constant 9840 : i32
    %add3A_77 = arith.addi %mul3A_2, %add3A_76 : i32
    %dma_start3A_78 = arith.constant 0 : i32
    %dma_start3A_79 = tpu.memref_slice %arg2[%add3A_77, %dma_start3A_78] : memref<320000x128xf32, #tpu.memory_space<hbm>> -> memref<80x128xf32, #tpu.memory_space<hbm>>
    %dma_start3A_80 = arith.constant 0 : i32
    %dma_start3A_81 = tpu.memref_slice %arg2[%add3A_77, %dma_start3A_80] : memref<320000x128xf32, #tpu.memory_space<hbm>> -> memref<80x128xf32, #tpu.memory_space<hbm>>
    tpu.enqueue_dma source(%dma_start3A_81 : memref<80x128xf32, #tpu.memory_space<hbm>>) target(%arg7 : memref<80x128xf32, #tpu.memory_space<vmem>>) target_semaphore(%arg11 : memref<!tpu.dma_semaphore, #tpu.memory_space<semaphore_mem>>)
    %dma_wait3A_82 = arith.constant 0 : i32
    %dma_wait3A_83 = arith.constant 0 : i32
    %dma_wait3A_84 = tpu.memref_slice %arg2[%dma_wait3A_82, %dma_wait3A_83] : memref<320000x128xf32, #tpu.memory_space<hbm>> -> memref<80x128xf32, #tpu.memory_space<hbm>>
    %dma_wait3A_85 = arith.constant 0 : i32
    %dma_wait3A_86 = arith.constant 0 : i32
    %dma_wait3A_87 = tpu.memref_slice %arg2[%dma_wait3A_85, %dma_wait3A_86] : memref<320000x128xf32, #tpu.memory_space<hbm>> -> memref<80x128xf32, #tpu.memory_space<hbm>>
    tpu.wait_dma2 semaphore(%arg10 : memref<!tpu.dma_semaphore, #tpu.memory_space<semaphore_mem>>) src(%dma_wait3A_87 : memref<80x128xf32, #tpu.memory_space<hbm>>) dst(%arg6 : memref<80x128xf32, #tpu.memory_space<vmem>>)
    %dma_start3A_88 = arith.constant 9760 : i32
    %dma_start3A_89 = tpu.memref_slice %arg5[%dma_start3A_88] : memref<10000xi32, #tpu.memory_space<vmem>> -> memref<80xi32, #tpu.memory_space<vmem>>
    %dma_start3A_90 = arith.constant 0 : i32
    %dma_start3A_91 = arith.constant 0 : i32
    %dma_start3A_92 = tpu.memref_slice %arg9[%dma_start3A_90, %dma_start3A_91] : memref<10240x128xf32, #tpu.memory_space<vmem_shared>> -> memref<10240x128xf32, #tpu.memory_space<vmem_shared>>
    tpu.enqueue_indirect_dma source(%arg6 : memref<80x128xf32, #tpu.memory_space<vmem>>) target(%dma_start3A_92 : memref<10240x128xf32, #tpu.memory_space<vmem_shared>>) offsets(%dma_start3A_89 : memref<80xi32, #tpu.memory_space<vmem>>) semaphore(%arg13 : memref<!tpu.dma_semaphore, #tpu.memory_space<semaphore_mem>>) {add = true}
    %dma_wait3A_93 = arith.constant 0 : i32
    %dma_wait3A_94 = arith.constant 0 : i32
    %dma_wait3A_95 = tpu.memref_slice %arg2[%dma_wait3A_93, %dma_wait3A_94] : memref<320000x128xf32, #tpu.memory_space<hbm>> -> memref<80x128xf32, #tpu.memory_space<hbm>>
    %dma_wait3A_96 = arith.constant 0 : i32
    %dma_wait3A_97 = arith.constant 0 : i32
    %dma_wait3A_98 = tpu.memref_slice %arg2[%dma_wait3A_96, %dma_wait3A_97] : memref<320000x128xf32, #tpu.memory_space<hbm>> -> memref<80x128xf32, #tpu.memory_space<hbm>>
    tpu.wait_dma2 semaphore(%arg15 : memref<!tpu.dma_semaphore, #tpu.memory_space<semaphore_mem>>) src(%dma_wait3A_98 : memref<80x128xf32, #tpu.memory_space<hbm>>) dst(%arg8 : memref<80x128xf32, #tpu.memory_space<vmem>>)
    %add3A_99 = arith.constant 9920 : i32
    %add3A_100 = arith.addi %mul3A_2, %add3A_99 : i32
    %dma_start3A_101 = arith.constant 0 : i32
    %dma_start3A_102 = tpu.memref_slice %arg2[%add3A_100, %dma_start3A_101] : memref<320000x128xf32, #tpu.memory_space<hbm>> -> memref<80x128xf32, #tpu.memory_space<hbm>>
    %dma_start3A_103 = arith.constant 0 : i32
    %dma_start3A_104 = tpu.memref_slice %arg2[%add3A_100, %dma_start3A_103] : memref<320000x128xf32, #tpu.memory_space<hbm>> -> memref<80x128xf32, #tpu.memory_space<hbm>>
    tpu.enqueue_dma source(%dma_start3A_104 : memref<80x128xf32, #tpu.memory_space<hbm>>) target(%arg8 : memref<80x128xf32, #tpu.memory_space<vmem>>) target_semaphore(%arg12 : memref<!tpu.dma_semaphore, #tpu.memory_space<semaphore_mem>>)
    %dma_wait3A_105 = arith.constant 0 : i32
    %dma_wait3A_106 = arith.constant 0 : i32
    %dma_wait3A_107 = tpu.memref_slice %arg2[%dma_wait3A_105, %dma_wait3A_106] : memref<320000x128xf32, #tpu.memory_space<hbm>> -> memref<80x128xf32, #tpu.memory_space<hbm>>
    %dma_wait3A_108 = arith.constant 0 : i32
    %dma_wait3A_109 = arith.constant 0 : i32
    %dma_wait3A_110 = tpu.memref_slice %arg2[%dma_wait3A_108, %dma_wait3A_109] : memref<320000x128xf32, #tpu.memory_space<hbm>> -> memref<80x128xf32, #tpu.memory_space<hbm>>
    tpu.wait_dma2 semaphore(%arg11 : memref<!tpu.dma_semaphore, #tpu.memory_space<semaphore_mem>>) src(%dma_wait3A_110 : memref<80x128xf32, #tpu.memory_space<hbm>>) dst(%arg7 : memref<80x128xf32, #tpu.memory_space<vmem>>)
    %dma_start3A_111 = arith.constant 9840 : i32
    %dma_start3A_112 = tpu.memref_slice %arg5[%dma_start3A_111] : memref<10000xi32, #tpu.memory_space<vmem>> -> memref<80xi32, #tpu.memory_space<vmem>>
    %dma_start3A_113 = arith.constant 0 : i32
    %dma_start3A_114 = arith.constant 0 : i32
    %dma_start3A_115 = tpu.memref_slice %arg9[%dma_start3A_113, %dma_start3A_114] : memref<10240x128xf32, #tpu.memory_space<vmem_shared>> -> memref<10240x128xf32, #tpu.memory_space<vmem_shared>>
    tpu.enqueue_indirect_dma source(%arg7 : memref<80x128xf32, #tpu.memory_space<vmem>>) target(%dma_start3A_115 : memref<10240x128xf32, #tpu.memory_space<vmem_shared>>) offsets(%dma_start3A_112 : memref<80xi32, #tpu.memory_space<vmem>>) semaphore(%arg14 : memref<!tpu.dma_semaphore, #tpu.memory_space<semaphore_mem>>) {add = true}
    %dma_wait3A_116 = arith.constant 0 : i32
    %dma_wait3A_117 = arith.constant 0 : i32
    %dma_wait3A_118 = tpu.memref_slice %arg2[%dma_wait3A_116, %dma_wait3A_117] : memref<320000x128xf32, #tpu.memory_space<hbm>> -> memref<80x128xf32, #tpu.memory_space<hbm>>
    %dma_wait3A_119 = arith.constant 0 : i32
    %dma_wait3A_120 = arith.constant 0 : i32
    %dma_wait3A_121 = tpu.memref_slice %arg2[%dma_wait3A_119, %dma_wait3A_120] : memref<320000x128xf32, #tpu.memory_space<hbm>> -> memref<80x128xf32, #tpu.memory_space<hbm>>
    tpu.wait_dma2 semaphore(%arg13 : memref<!tpu.dma_semaphore, #tpu.memory_space<semaphore_mem>>) src(%dma_wait3A_121 : memref<80x128xf32, #tpu.memory_space<hbm>>) dst(%arg6 : memref<80x128xf32, #tpu.memory_space<vmem>>)
    %dma_wait3A_122 = arith.constant 0 : i32
    %dma_wait3A_123 = arith.constant 0 : i32
    %dma_wait3A_124 = tpu.memref_slice %arg2[%dma_wait3A_122, %dma_wait3A_123] : memref<320000x128xf32, #tpu.memory_space<hbm>> -> memref<80x128xf32, #tpu.memory_space<hbm>>
    %dma_wait3A_125 = arith.constant 0 : i32
    %dma_wait3A_126 = arith.constant 0 : i32
    %dma_wait3A_127 = tpu.memref_slice %arg2[%dma_wait3A_125, %dma_wait3A_126] : memref<320000x128xf32, #tpu.memory_space<hbm>> -> memref<80x128xf32, #tpu.memory_space<hbm>>
    tpu.wait_dma2 semaphore(%arg12 : memref<!tpu.dma_semaphore, #tpu.memory_space<semaphore_mem>>) src(%dma_wait3A_127 : memref<80x128xf32, #tpu.memory_space<hbm>>) dst(%arg8 : memref<80x128xf32, #tpu.memory_space<vmem>>)
    %dma_start3A_128 = arith.constant 9920 : i32
    %dma_start3A_129 = tpu.memref_slice %arg5[%dma_start3A_128] : memref<10000xi32, #tpu.memory_space<vmem>> -> memref<80xi32, #tpu.memory_space<vmem>>
    %dma_start3A_130 = arith.constant 0 : i32
    %dma_start3A_131 = arith.constant 0 : i32
    %dma_start3A_132 = tpu.memref_slice %arg9[%dma_start3A_130, %dma_start3A_131] : memref<10240x128xf32, #tpu.memory_space<vmem_shared>> -> memref<10240x128xf32, #tpu.memory_space<vmem_shared>>
    tpu.enqueue_indirect_dma source(%arg8 : memref<80x128xf32, #tpu.memory_space<vmem>>) target(%dma_start3A_132 : memref<10240x128xf32, #tpu.memory_space<vmem_shared>>) offsets(%dma_start3A_129 : memref<80xi32, #tpu.memory_space<vmem>>) semaphore(%arg15 : memref<!tpu.dma_semaphore, #tpu.memory_space<semaphore_mem>>) {add = true}
    %dma_wait3A_133 = arith.constant 0 : i32
    %dma_wait3A_134 = arith.constant 0 : i32
    %dma_wait3A_135 = tpu.memref_slice %arg2[%dma_wait3A_133, %dma_wait3A_134] : memref<320000x128xf32, #tpu.memory_space<hbm>> -> memref<80x128xf32, #tpu.memory_space<hbm>>
    %dma_wait3A_136 = arith.constant 0 : i32
    %dma_wait3A_137 = arith.constant 0 : i32
    %dma_wait3A_138 = tpu.memref_slice %arg2[%dma_wait3A_136, %dma_wait3A_137] : memref<320000x128xf32, #tpu.memory_space<hbm>> -> memref<80x128xf32, #tpu.memory_space<hbm>>
    tpu.wait_dma2 semaphore(%arg14 : memref<!tpu.dma_semaphore, #tpu.memory_space<semaphore_mem>>) src(%dma_wait3A_138 : memref<80x128xf32, #tpu.memory_space<hbm>>) dst(%arg7 : memref<80x128xf32, #tpu.memory_space<vmem>>)
    %dma_wait3A_139 = arith.constant 0 : i32
    %dma_wait3A_140 = arith.constant 0 : i32
    %dma_wait3A_141 = tpu.memref_slice %arg2[%dma_wait3A_139, %dma_wait3A_140] : memref<320000x128xf32, #tpu.memory_space<hbm>> -> memref<80x128xf32, #tpu.memory_space<hbm>>
    %dma_wait3A_142 = arith.constant 0 : i32
    %dma_wait3A_143 = arith.constant 0 : i32
    %dma_wait3A_144 = tpu.memref_slice %arg2[%dma_wait3A_142, %dma_wait3A_143] : memref<320000x128xf32, #tpu.memory_space<hbm>> -> memref<80x128xf32, #tpu.memory_space<hbm>>
    tpu.wait_dma2 semaphore(%arg15 : memref<!tpu.dma_semaphore, #tpu.memory_space<semaphore_mem>>) src(%dma_wait3A_144 : memref<80x128xf32, #tpu.memory_space<hbm>>) dst(%arg8 : memref<80x128xf32, #tpu.memory_space<vmem>>)
    %barrier3A_145 = arith.constant 0 : index
    tpu.barrier barrier_id(%barrier3A_145)
    %mul3A_146 = arith.constant 640 : i32
    %mul3A_147 = arith.muli %arg1, %mul3A_146 : i32
    %mul3A_148 = arith.constant 640 : i32
    %mul3A_149 = arith.muli %arg1, %mul3A_148 : i32
    "tpu.region"() ({
      %run_scoped3A = tpu.sem_alloc : memref<!tpu.dma_semaphore, #tpu.memory_space<semaphore_mem>>
      %dma_start3A_150 = arith.constant 0 : i32
      %dma_start3A_151 = arith.constant 0 : i32
      %dma_start3A_152 = tpu.memref_slice %arg4[%arg0, %dma_start3A_150, %dma_start3A_151] : memref<2x10240x128xf32, #tpu.memory_space<hbm>> -> memref<1x10240x128xf32, #tpu.memory_space<hbm>>
      %dma_start3A_153 = tpu.memref_squeeze %dma_start3A_152 : memref<1x10240x128xf32, #tpu.memory_space<hbm>> -> memref<10240x128xf32, #tpu.memory_space<hbm>>
      %dma_start3A_154 = arith.constant 0 : i32
      %dma_start3A_155 = tpu.memref_slice %dma_start3A_153[%mul3A_149, %dma_start3A_154] : memref<10240x128xf32, #tpu.memory_space<hbm>> -> memref<640x128xf32, #tpu.memory_space<hbm>>
      %dma_start3A_156 = arith.constant 0 : i32
      %dma_start3A_157 = tpu.memref_slice %arg9[%mul3A_147, %dma_start3A_156] : memref<10240x128xf32, #tpu.memory_space<vmem_shared>> -> memref<640x128xf32, #tpu.memory_space<vmem_shared>>
      tpu.enqueue_dma source(%dma_start3A_157 : memref<640x128xf32, #tpu.memory_space<vmem_shared>>) target(%dma_start3A_155 : memref<640x128xf32, #tpu.memory_space<hbm>>) target_semaphore(%run_scoped3A : memref<!tpu.dma_semaphore, #tpu.memory_space<semaphore_mem>>)
      %dma_wait3A_158 = arith.constant 0 : i32
      %dma_wait3A_159 = arith.constant 0 : i32
      %dma_wait3A_160 = tpu.memref_slice %arg4[%arg0, %dma_wait3A_158, %dma_wait3A_159] : memref<2x10240x128xf32, #tpu.memory_space<hbm>> -> memref<1x10240x128xf32, #tpu.memory_space<hbm>>
      %dma_wait3A_161 = tpu.memref_squeeze %dma_wait3A_160 : memref<1x10240x128xf32, #tpu.memory_space<hbm>> -> memref<10240x128xf32, #tpu.memory_space<hbm>>
      %dma_wait3A_162 = arith.constant 0 : i32
      %dma_wait3A_163 = tpu.memref_slice %dma_wait3A_161[%mul3A_149, %dma_wait3A_162] : memref<10240x128xf32, #tpu.memory_space<hbm>> -> memref<640x128xf32, #tpu.memory_space<hbm>>
      %dma_wait3A_164 = arith.constant 0 : i32
      %dma_wait3A_165 = tpu.memref_slice %arg9[%mul3A_147, %dma_wait3A_164] : memref<10240x128xf32, #tpu.memory_space<vmem_shared>> -> memref<640x128xf32, #tpu.memory_space<vmem_shared>>
      tpu.wait_dma2 semaphore(%run_scoped3A : memref<!tpu.dma_semaphore, #tpu.memory_space<semaphore_mem>>) src(%dma_wait3A_165 : memref<640x128xf32, #tpu.memory_space<vmem_shared>>) dst(%dma_wait3A_163 : memref<640x128xf32, #tpu.memory_space<hbm>>)
      tpu.yield
    }) : () -> ()
    return
  }
}

module attributes {stable_mosaic.version = 14 : i64} {
  func.func @_mm1_block(%arg0: i32, %arg1: memref<2000x128xf32, #tpu.memory_space<vmem>>, %arg2: memref<128x128xf32, #tpu.memory_space<vmem>>, %arg3: memref<1x128xf32, #tpu.memory_space<vmem>>, %arg4: memref<2000x128xbf16, #tpu.memory_space<vmem>>) attributes {dimension_semantics = [#tpu.dimension_semantics<arbitrary>], iteration_bounds = array<i64: 5>, scalar_prefetch = 0 : i64, scratch_operands = 0 : i64, tpu.core_type = #tpu.core_type<tc>, window_params = [{transform_indices = @transform_0, window_bounds = array<i64: 2000, 128>}, {pipeline_mode = #tpu.pipeline_mode<synchronous>, transform_indices = @transform_1, window_bounds = array<i64: 128, 128>}, {pipeline_mode = #tpu.pipeline_mode<synchronous>, transform_indices = @transform_2, window_bounds = array<i64: 1, 128>}, {transform_indices = @transform_3, window_bounds = array<i64: 2000, 128>}]} {
    %get3A = arith.constant 0 : index
    %get3A_0 = arith.constant 0 : index
    %get3A_1 = vector.load %arg1[%get3A, %get3A_0] : memref<2000x128xf32, #tpu.memory_space<vmem>>, vector<2000x128xf32>
    %get3A_2 = arith.constant 0 : index
    %get3A_3 = arith.constant 0 : index
    %get3A_4 = vector.load %arg2[%get3A_2, %get3A_3] : memref<128x128xf32, #tpu.memory_space<vmem>>, vector<128x128xf32>
    %dot_general3A = arith.constant dense<0.000000e+00> : vector<2000x128xf32>
    %dot_general3A_5 = tpu.matmul %get3A_1, %get3A_4, %dot_general3A {dimension_numbers = #tpu.dot_dimension_numbers<[1], [0], [0], [1], [0, 0, 1, 1], [], []>, transpose_lhs_hint = false} : vector<2000x128xf32>, vector<128x128xf32>, vector<2000x128xf32> -> vector<2000x128xf32>
    %get3A_6 = arith.constant 0 : index
    %get3A_7 = arith.constant 0 : index
    %get3A_8 = vector.load %arg3[%get3A_6, %get3A_7] : memref<1x128xf32, #tpu.memory_space<vmem>>, vector<1x128xf32>
    %add3A = vector.broadcast %get3A_8 : vector<1x128xf32> to vector<2000x128xf32>
    %add3A_9 = arith.addf %dot_general3A_5, %add3A : vector<2000x128xf32>
    %convert_element_type3A = arith.truncf %add3A_9 : vector<2000x128xf32> to vector<2000x128xbf16>
    %swap3A = arith.constant 0 : index
    %swap3A_10 = arith.constant 0 : index
    %swap3A_11 = vector.load %arg4[%swap3A, %swap3A_10] : memref<2000x128xbf16, #tpu.memory_space<vmem>>, vector<2000x128xbf16>
    tpu.vector_store %arg4[%swap3A, %swap3A_10], %convert_element_type3A {strides = array<i32>} : memref<2000x128xbf16, #tpu.memory_space<vmem>>, vector<2000x128xbf16>,
    return
  }
  func.func @transform_0(%arg0: i32) -> (i32, i32) {
    %c0_i32 = arith.constant 0 : i32
    %c0_i32_0 = arith.constant 0 : i32
    return %arg0, %c0_i32 : i32, i32
  }
  func.func @transform_1(%arg0: i32) -> (i32, i32) {
    %c0_i32 = arith.constant 0 : i32
    %c0_i32_0 = arith.constant 0 : i32
    %c0_i32_1 = arith.constant 0 : i32
    return %c0_i32, %c0_i32_0 : i32, i32
  }
  func.func @transform_2(%arg0: i32) -> (i32, i32) {
    %c0_i32 = arith.constant 0 : i32
    %c0_i32_0 = arith.constant 0 : i32
    %c0_i32_1 = arith.constant 0 : i32
    return %c0_i32, %c0_i32_0 : i32, i32
  }
  func.func @transform_3(%arg0: i32) -> (i32, i32) {
    %c0_i32 = arith.constant 0 : i32
    %c0_i32_0 = arith.constant 0 : i32
    return %arg0, %c0_i32 : i32, i32
  }
}

module attributes {stable_mosaic.version = 14 : i64} {
  func.func @_mlp_block(%arg0: i32, %arg1: memref<2000x128xbf16, #tpu.memory_space<vmem>>, %arg2: memref<2x2000x128xf32, #tpu.memory_space<vmem>>, %arg3: memref<128x128xf32, #tpu.memory_space<vmem>>, %arg4: memref<128x128xf32, #tpu.memory_space<vmem>>, %arg5: memref<1x128xf32, #tpu.memory_space<vmem>>, %arg6: memref<2000x128xf32, #tpu.memory_space<vmem>>) attributes {dimension_semantics = [#tpu.dimension_semantics<arbitrary>], iteration_bounds = array<i64: 5>, scalar_prefetch = 0 : i64, scratch_operands = 0 : i64, tpu.core_type = #tpu.core_type<tc>, window_params = [{transform_indices = @transform_0, window_bounds = array<i64: 2000, 128>}, {transform_indices = @transform_1, window_bounds = array<i64: 2, 2000, 128>}, {pipeline_mode = #tpu.pipeline_mode<synchronous>, transform_indices = @transform_2, window_bounds = array<i64: 128, 128>}, {pipeline_mode = #tpu.pipeline_mode<synchronous>, transform_indices = @transform_3, window_bounds = array<i64: 128, 128>}, {pipeline_mode = #tpu.pipeline_mode<synchronous>, transform_indices = @transform_4, window_bounds = array<i64: 1, 128>}, {transform_indices = @transform_5, window_bounds = array<i64: 2000, 128>}]} {
    %get3A = arith.constant 0 : index
    %get3A_0 = arith.constant 0 : index
    %get3A_1 = arith.constant 0 : index
    %get3A_2 = vector.load %arg2[%get3A, %get3A_0, %get3A_1] : memref<2x2000x128xf32, #tpu.memory_space<vmem>>, vector<1x2000x128xf32>
    %get3A_3 = vector.shape_cast %get3A_2 : vector<1x2000x128xf32> to vector<2000x128xf32>
    %get3A_4 = arith.constant 1 : index
    %get3A_5 = arith.constant 0 : index
    %get3A_6 = arith.constant 0 : index
    %get3A_7 = vector.load %arg2[%get3A_4, %get3A_5, %get3A_6] : memref<2x2000x128xf32, #tpu.memory_space<vmem>>, vector<1x2000x128xf32>
    %get3A_8 = vector.shape_cast %get3A_7 : vector<1x2000x128xf32> to vector<2000x128xf32>
    %add3A = arith.addf %get3A_3, %get3A_8 : vector<2000x128xf32>
    %get3A_9 = arith.constant 0 : index
    %get3A_10 = arith.constant 0 : index
    %get3A_11 = vector.load %arg1[%get3A_9, %get3A_10] : memref<2000x128xbf16, #tpu.memory_space<vmem>>, vector<2000x128xbf16>
    %convert_element_type3A = arith.extf %get3A_11 : vector<2000x128xbf16> to vector<2000x128xf32>
    %get3A_12 = arith.constant 0 : index
    %get3A_13 = arith.constant 0 : index
    %get3A_14 = vector.load %arg3[%get3A_12, %get3A_13] : memref<128x128xf32, #tpu.memory_space<vmem>>, vector<128x128xf32>
    %dot_general3A = arith.constant dense<0.000000e+00> : vector<2000x128xf32>
    %dot_general3A_15 = tpu.matmul %add3A, %get3A_14, %dot_general3A {dimension_numbers = #tpu.dot_dimension_numbers<[1], [0], [0], [1], [0, 0, 1, 1], [], []>, transpose_lhs_hint = false} : vector<2000x128xf32>, vector<128x128xf32>, vector<2000x128xf32> -> vector<2000x128xf32>
    %add3A_16 = arith.addf %convert_element_type3A, %dot_general3A_15 : vector<2000x128xf32>
    %max3A = arith.constant 0.000000e+00 : f32
    %max3A_17 = vector.broadcast %max3A : f32 to vector<2000x128xf32>
    %max3A_18 = arith.maximumf %add3A_16, %max3A_17 : vector<2000x128xf32>
    %get3A_19 = arith.constant 0 : index
    %get3A_20 = arith.constant 0 : index
    %get3A_21 = vector.load %arg4[%get3A_19, %get3A_20] : memref<128x128xf32, #tpu.memory_space<vmem>>, vector<128x128xf32>
    %dot_general3A_22 = arith.constant dense<0.000000e+00> : vector<2000x128xf32>
    %dot_general3A_23 = tpu.matmul %max3A_18, %get3A_21, %dot_general3A_22 {dimension_numbers = #tpu.dot_dimension_numbers<[1], [0], [0], [1], [0, 0, 1, 1], [], []>, transpose_lhs_hint = false} : vector<2000x128xf32>, vector<128x128xf32>, vector<2000x128xf32> -> vector<2000x128xf32>
    %get3A_24 = arith.constant 0 : index
    %get3A_25 = arith.constant 0 : index
    %get3A_26 = vector.load %arg5[%get3A_24, %get3A_25] : memref<1x128xf32, #tpu.memory_space<vmem>>, vector<1x128xf32>
    %add3A_27 = vector.broadcast %get3A_26 : vector<1x128xf32> to vector<2000x128xf32>
    %add3A_28 = arith.addf %dot_general3A_23, %add3A_27 : vector<2000x128xf32>
    %swap3A = arith.constant 0 : index
    %swap3A_29 = arith.constant 0 : index
    %swap3A_30 = vector.load %arg6[%swap3A, %swap3A_29] : memref<2000x128xf32, #tpu.memory_space<vmem>>, vector<2000x128xf32>
    tpu.vector_store %arg6[%swap3A, %swap3A_29], %add3A_28 {strides = array<i32>} : memref<2000x128xf32, #tpu.memory_space<vmem>>, vector<2000x128xf32>,
    return
  }
  func.func @transform_0(%arg0: i32) -> (i32, i32) {
    %c0_i32 = arith.constant 0 : i32
    %c0_i32_0 = arith.constant 0 : i32
    return %arg0, %c0_i32 : i32, i32
  }
  func.func @transform_1(%arg0: i32) -> (i32, i32, i32) {
    %c0_i32 = arith.constant 0 : i32
    %c0_i32_0 = arith.constant 0 : i32
    %c0_i32_1 = arith.constant 0 : i32
    return %c0_i32, %arg0, %c0_i32_0 : i32, i32, i32
  }
  func.func @transform_2(%arg0: i32) -> (i32, i32) {
    %c0_i32 = arith.constant 0 : i32
    %c0_i32_0 = arith.constant 0 : i32
    %c0_i32_1 = arith.constant 0 : i32
    return %c0_i32, %c0_i32_0 : i32, i32
  }
  func.func @transform_3(%arg0: i32) -> (i32, i32) {
    %c0_i32 = arith.constant 0 : i32
    %c0_i32_0 = arith.constant 0 : i32
    %c0_i32_1 = arith.constant 0 : i32
    return %c0_i32, %c0_i32_0 : i32, i32
  }
  func.func @transform_4(%arg0: i32) -> (i32, i32) {
    %c0_i32 = arith.constant 0 : i32
    %c0_i32_0 = arith.constant 0 : i32
    %c0_i32_1 = arith.constant 0 : i32
    return %c0_i32, %c0_i32_0 : i32, i32
  }
  func.func @transform_5(%arg0: i32) -> (i32, i32) {
    %c0_i32 = arith.constant 0 : i32
    %c0_i32_0 = arith.constant 0 : i32
    return %arg0, %c0_i32 : i32, i32
  }
}

</mosaic_0001>

<sc_bundles>
// kernel: kernel.5.cloned.1.call-start
scs
__scs_entry_jumppad:
0x0: {  	(pc) =	sbr.rel $0x88, $3  }
0x1: {  	(tag) =	ssettag $0x0;
	lr =	simm.s32 $0x1  }
0x2: {  	[smem:$0x3F9A] =	sst lr;
	_ =	strace $0xD0000000  }
0x3: {  	_ = 	snop  }
0x4: {  	_ = 	snop  }
0x5: {  	_ = 	snop  }
0x6: {  	_ = 	snop  }
0x7: {  	_ = 	snop  }
__scs_overlays_trampoline_lowered:
0x8: {  	[smem:$0x3FA9] =	sst s0  }
0x9: {  	[smem:$0x3FAA] =	sst s1  }
0xa: {  	[smem:$0x3FAB] =	sst s2  }
0xb: {  	[smem:$0x3FAC] =	sst s3  }
0xc: {  	[smem:$0x3FAD] =	sst s4  }
0xd: {  	[smem:$0x3FAE] =	sst s5  }
0xe: {  	[smem:$0x3FAF] =	sst s6  }
0xf: {  	[smem:$0x3FB0] =	sst s7  }
0x10: {  	[smem:$0x3FB1] =	sst s8  }
0x11: {  	[smem:$0x3FB2] =	sst s9;
	s0 =	simm.s32 @!p0 $0x0  }
0x12: {  	s1 =	sld [smem:$0x3F98];
	s0 =	simm.s32 @p0 $0x1  }
0x13: {  	[smem:$0x3FB3] =	sst s0;
	s0 =	simm.s32 @!p1 $0x0  }
0x14: {  	s2 =	sld [smem:$0x3F97];
	s0 =	simm.s32 @p1 $0x1  }
0x15: {  	[smem:$0x3FB4] =	sst s0;
	s0 =	simm.s32 @!p2 $0x0  }
0x16: {  	s3 =	sld [smem:$0x3FDB];
	s0 =	simm.s32 @p2 $0x1  }
0x17: {  	s4 =	simm.s32 $0x1BF5;
	[smem:$0x3FB6] =	sst s0  }
0x18: {  	s0 =	sld [smem:$0x3F99];
	_ =	swait.ge [sflag:s4], $0x0  }
0x19: {  	s7 =	sld [smem:$0x3F9A]  }
0x1a: {  	s8 =	sadd.s32 $0xFFFFE003, lr  }
0x1b: {  	s9 =	sadd.s32 $0xFFFFFEF7, lr;
	s5 =	simm.s32 $0xFFFFFFFF;
	p2 =	slt.u32 s8, $0xFFFFF086  }
0x1c: {  	p1 =	slt.u32 s9, $0xF7A;
	s5 =	simm.s32 @!p2 $0x0  }
0x1d: {  	s5 =	simm.s32 @p1 $0x1;
	p0 =	seq.s32 s7, s2  }
0x1e: {  	s7 =	smul.u32 @!p0 $0xF7A, s2;
	p2 =	seq.s32 @!p0 s5, $0x0  }
0x1f: {  	s9 =	smul.u32 $0xF7A, s1;
	s8 =	simm.s32 @!p0 $0x1BF5;
	p2 =	por !p2, p0  }
0x20: {  	[sflag:s8] =	ssyncset.s32 @!p0 $0xFFFFF086;
	s6 =	sadd.s32 @!p0 s3, s7;
	s7 =	simm.s32 @!p0 $0x108  }
0x21: {  	s3 =	sadd.s32 s3, s9;
	s6 =	sadd.s32 @!p0 $0x88, s6;
	s7 =	simm.s32 @p2 $0x1082  }
0x22: {  	[simem:s7], [sflag:s8] =	dma.local @!p0 [hbm:s6], $0xF7A  }
0x23: {  	s9 =	sor.u32 $0xD0000000, s2;
	s6 =	simm.s32 $0x108;
	_ =	swait.ge @!p0 [sflag:s8], $0x0  }
0x24: {  	s3 =	sadd.s32 $0x88, s3;
	s6 =	simm.s32 @!p1 $0x1082;
	[sflag:s4] =	ssyncset.s32 $0xFFFFF086  }
0x25: {  	[simem:s6], [sflag:s4] =	dma.local [hbm:s3], $0xF7A  }
0x26: {  	[smem:$0x3F9A] =	sst s1;
	(tag) =	ssettag s2;
	_ =	strace s9  }
0x27: {  	s1 =	sld [smem:$0x3FAA]  }
0x28: {  	s2 =	sld [smem:$0x3FAB]  }
0x29: {  	s4 =	sld [smem:$0x3FAD]  }
0x2a: {  	p0 =	seq.s32 s5, $0x0;
	s5 =	sld [smem:$0x3FAE]  }
0x2b: {  	s6 =	sld [smem:$0x3FAF]  }
0x2c: {  	s7 =	sld [smem:$0x3FB0]  }
0x2d: {  	s3 =	simm.s32 $0x108;
	s8 =	sld [smem:$0x3FB1]  }
0x2e: {  	s3 =	simm.s32 @!p0 $0x1082;
	s9 =	sld [smem:$0x3FB2]  }
0x2f: {  	lr =	sadd.s32 s0, s3;
	s0 =	sld [smem:$0x3FA9]  }
0x30: {  	s3 =	sld [smem:$0x3FAC]  }
0x31: {  	[smem:$0x3FB5] =	sst s10  }
0x32: {  	s10 =	sld [smem:$0x3FB3];
	_ =	sdelay $0x3  }
0x33: {  	p0 =	seq.s32 s10, $0x1;
	s10 =	sld [smem:$0x3FB5];
	_ =	sdelay $0x3  }
0x34: {  	[smem:$0x3FB5] =	sst s10  }
0x35: {  	s10 =	sld [smem:$0x3FB4];
	_ =	sdelay $0x3  }
0x36: {  	p1 =	seq.s32 s10, $0x1;
	s10 =	sld [smem:$0x3FB5];
	_ =	sdelay $0x3  }
0x37: {  	[smem:$0x3FB5] =	sst s10  }
0x38: {  	s10 =	sld [smem:$0x3FB6]  }
0x39: {  	_ = 	snop;
	(pc) =	sbr.ind lr, $3  }
0x3a: {  	_ = 	snop  }
0x3b: {  	_ = 	snop  }
0x3c: {  	p2 =	seq.s32 s10, $0x1;
	s10 =	sld [smem:$0x3FB5]  }
0x3d: {  	_ =	shalt  }
0x3e: {  	_ =	shalt  }
0x3f: {  	_ =	shalt  }
0x40: {  	_ =	shalt  }
0x41: {  	_ =	shalt  }
0x42: {  	_ =	shalt  }
0x43: {  	_ =	shalt  }
0x44: {  	_ =	shalt  }
0x45: {  	_ =	shalt  }
0x46: {  	_ =	shalt  }
0x47: {  	_ =	shalt  }
0x48: {  	_ =	shalt  }
0x49: {  	_ =	shalt  }
0x4a: {  	_ =	shalt  }
0x4b: {  	_ =	shalt  }
0x4c: {  	_ =	shalt  }
0x4d: {  	_ =	shalt  }
0x4e: {  	_ =	shalt  }
0x4f: {  	_ =	shalt  }
0x50: {  	_ =	shalt  }
0x51: {  	_ =	shalt  }
0x52: {  	_ =	shalt  }
0x53: {  	_ =	shalt  }
0x54: {  	_ =	shalt  }
0x55: {  	_ =	shalt  }
0x56: {  	_ =	shalt  }
0x57: {  	_ =	shalt  }
0x58: {  	_ =	shalt  }
0x59: {  	_ =	shalt  }
0x5a: {  	_ =	shalt  }
0x5b: {  	_ =	shalt  }
0x5c: {  	_ =	shalt  }
0x5d: {  	_ =	shalt  }
0x5e: {  	_ =	shalt  }
0x5f: {  	_ =	shalt  }
0x60: {  	_ =	shalt  }
0x61: {  	_ =	shalt  }
0x62: {  	_ =	shalt  }
0x63: {  	_ =	shalt  }
0x64: {  	_ =	shalt  }
0x65: {  	_ =	shalt  }
0x66: {  	_ =	shalt  }
0x67: {  	_ =	shalt  }
0x68: {  	_ =	shalt  }
0x69: {  	_ =	shalt  }
0x6a: {  	_ =	shalt  }
0x6b: {  	_ =	shalt  }
0x6c: {  	_ =	shalt  }
0x6d: {  	_ =	shalt  }
0x6e: {  	_ =	shalt  }
0x6f: {  	_ =	shalt  }
0x70: {  	_ =	shalt  }
0x71: {  	_ =	shalt  }
0x72: {  	_ =	shalt  }
0x73: {  	_ =	shalt  }
0x74: {  	_ =	shalt  }
0x75: {  	_ =	shalt  }
0x76: {  	_ =	shalt  }
0x77: {  	_ =	shalt  }
0x78: {  	_ =	shalt  }
0x79: {  	_ =	shalt  }
0x7a: {  	_ =	shalt  }
0x7b: {  	_ =	shalt  }
0x7c: {  	_ =	shalt  }
0x7d: {  	_ =	shalt  }
0x7e: {  	_ =	shalt  }
0x7f: {  	_ =	shalt  }
0x80: {  	_ =	shalt  }
0x81: {  	_ =	shalt  }
0x82: {  	_ =	shalt  }
0x83: {  	_ =	shalt  }
0x84: {  	_ =	shalt  }
0x85: {  	_ =	shalt  }
0x86: {  	_ =	shalt  }
0x87: {  	_ =	shalt  }
.Lfunc_end0:
.L_simem_size_0:
called_computation_lowered:
.L_overlay_start_0:
0x88: {  	s2 =	sld [smem:$0x3FD9]  }
0x89: {  	s3 =	sld [smem:$0x3FFE];
	_ =	sdelay $0x1  }
0x8a: {  	s1 =	srdreg.scid  }
0x8b: {  	s0 =	sand.u32 $0x1, s1  }
0x8c: {  	s17 =	sshll.u32 s0, $0xA;
	s2 =	sadd.s32 s3, s2  }
0x8d: {  	s2 =	sadd.s32 s2, s17  }
0x8e: {  	[smem:$0x3FC1] =	sst s2  }
0x8f: {  	_ = 	snop  }
0x90: {  	s2 =	sld [smem:$0x3FC8]  }
0x91: {  	s18 =	sld [smem:$0x3FD0];
	(tm) =	ssettm $0x1  }
0x92: {  	s4 =	sld [smem:$0x3FFB];
	_ =	sdelay $0x3  }
0x93: {  	_ =	strace s4  }
0x94: {  	s4 =	sld [smem:$0x3FFC];
	_ =	sdelay $0x3  }
0x95: {  	_ =	strace s4  }
0x96: {  	s4 =	sld [smem:$0x3FFD];
	_ =	sdelay $0x3  }
0x97: {  	_ =	strace s4  }
0x98: {  	_ =	strace $0x8FFFFFFF  }
0x99: {  	s19 =	sld [smem:$0x3FDB];
	_ =	sdelay $0x1  }
0x9a: {  	s5 =	simm.s32 $_scs_section_size  }
0x9b: {  	s6 =	simm.s32 $_size__tile_overlayer_lowered;
	s7 =	simm.s32 $_tile_overlayer_lowered  }
0x9c: {  	s22 =	simm.s32 $0x1BFF;
	s21 =	sshll.u32 s7, $0x1;
	s4 =	sadd.s32 s5, s19  }
0x9d: {  	s8 =	simm.s32 $0x0;
	s20 =	sshll.u32 s6, $0x1;
	s6 =	sadd.s32 s21, s4  }
0x9e: {  	[timem:s8], [sflag:s22] =	dma.local [hbm:s6], s20  }
0x9f: {  	_ =	swait.ge [sflag:s22], s20  }
0xa0: {  	s5 =	ssub.s32 $0x0, s20;
	[sflag:s22] =	ssyncset.done $0x0  }
0xa1: {  	[sflag:s22] =	ssyncadd.s32 s5;
	_ =	sdelay $0x1  }
0xa2: {  	s23 =	simm.s32 $0x1B8B  }
0xa3: {  	_ =	swait.ge [sflag:s23], $0x1  }
0xa4: {  	[sflag:s23] =	ssyncset.done $0x0  }
0xa5: {  	s25 =	simm.s32 $0x1B8E;
	s24 =	sld [smem:$0x3FFE];
	[sflag:s23] =	ssyncadd.s32 $0xFFFFFFFF  }
0xa6: {  	s26 =	simm.s32 $execute0_lowered;
	[smem:$0x3FD2] =	sst s25  }
0xa7: {  	s6 =	sshll.u32 s26, $0x1;
	_ =	strace $0x80000046;
	[dreg:$0x1] =	wrdreg $0xFFFFFFFF  }
0xa8: {  	s28 =	simm.s32 $_size_execute0_lowered;
	s4 =	sadd.s32 s4, s6;
	[dreg:$0x0] =	wrdreg $0x0  }
0xa9: {  	s6 =	sshll.u32 s28, $0x1;
	[dreg:$0x2] =	wrdreg s4  }
0xaa: {  	[dreg:$0x3] =	wrdreg s6  }
0xab: {  	[dreg:$0x4] =	wrdreg $0xC0  }
0xac: {  	_ =	task [dreg:s8], $0x5FFFF  }
0xad: {  	[dreg:$0x1] =	wrdreg $0xFFFFFFFF  }
0xae: {  	[dreg:$0x0] =	wrdreg $0x60  }
0xaf: {  	[dreg:$0x2] =	wrdreg s2  }
0xb0: {  	[dreg:$0x3] =	wrdreg s18  }
0xb1: {  	[dreg:$0x4] =	wrdreg s24  }
0xb2: {  	[dreg:$0x5] =	wrdreg $0x9F800  }
0xb3: {  	[dreg:$0x6] =	wrdreg $0x9  }
0xb4: {  	_ =	task.clear_ibuf [dreg:s8], $0x7FFFF;
	_ =	strace $0x90000046  }
0xb5: {  	s29 =	simm.s32 $0x9;
	_ =	strace $0x80000048  }
0xb6: {  	_ =	swait.ge [sflag:s29], $0x1  }
0xb7: {  	[sflag:s29] =	ssyncadd.s32 $0xFFFFFFFF  }
0xb8: {  	_ =	strace $0x90000048  }
0xb9: {  	_ =	sfence  }
0xba: {  	s30 =	sld [smem:$0x0];
	_ =	sdelay $0x2  }
0xbb: {  	s31 =	sshll.u32 s1, $0xD;
	s1 =	sshrl.u32 s1, $0x2  }
0xbc: {  	s3 =	sand.u32 $0x4000, s31;
	s1 =	sadd.s32 s1, s30  }
0xbd: {  	s0 =	sor.u32 s3, s0;
	s1 =	sshll.u32 s1, $0x11  }
0xbe: {  	s0 =	sor.u32 s1, s0  }
0xbf: {  	s0 =	sadd.s32 $0x8F2B, s0  }
0xc0: {  	[sflag:s0] =	ssyncadd.remote.s32 $0x1  }
0xc1: {  	_ =	sfence.sel $0xFFFF  }
0xc2: {  	[dreg:$0x0] =	wrdreg $0xFFFFFFFF;
	(pc) =	sbr.abs _section_cstart, $3  }
0xc3: {  	[dreg:$0x1] =	wrdreg $0xFFFFFFFF  }
0xc4: {  	_ =	task.clear_ibuf [dreg:s8], $0x2FFFF;
	_ =	strace $0x9FFFFFFF  }
0xc5: {  	(tm) =	ssettm $0x7FFFFFFF  }
tec
execute0_lowered:
.L_overlay_start_1:
0x0: {  	(tag) =	ssettag $0x1  }
0x1: {  	s0 =	rddreg [dreg:$0x0]  }
0x2: {  	s2 =	rddreg [dreg:$0x1]  }
0x3: {  	s4 =	rddreg [dreg:$0x2]  }
0x4: {  	s1 =	rddreg [dreg:$0x3]  }
0x5: {  	s3 =	srdreg.scid;
	s17 =	stileid.u32;
	s28 =	simm.s32 $0x7  }
0x6: {  	s29 =	simm.s32 $0x2;
	s30 =	simm.s32 $0x50;
	s19 =	smul.u32 $0x50000, s17  }
0x7: {  	s5 =	sand.u32 $0x1, s3;
	s3 =	simm.s32 $0x0;
	s25 =	smul.u32 $0x2800, s17  }
0x8: {  	s10 =	sshll.u32 s17, $0x7;
	s26 =	smul.u32 $0x27100, s17;
	s6 =	sshll.u32 s5, $0x4  }
0x9: {  	[smem:$0x7FF] =	sst s3;
	s7 =	smul.u32 $0x28000, s5;
	s9 =	ssub.s32 $0x2, s5  }
0xa: {  	s10 =	sand.u32 $0x380, s10;
	s5 =	smul.u32 $0x271000, s5;
	s6 =	sor.u32 s17, s6  }
0xb: {  	s31 =	simm.s32 $0x3;
	_ =	strace $0x80000047;
	s12 =	smul.u32 $0x138800, s6  }
0xc: {  	s11 =	sshrl.u32 s9, $0x1;
	s8 =	sshrl.u32 s6, $0x3;
	s6 =	smul.u32 $0x27100, s6  }
0xd: {  	s4 =	sadd.s32 s7, s4;
	s16 =	ssub.s32 s9, s11;
	s8 =	smul.u32 $0x13C00, s8  }
0xe: {  	s24 =	sshrl.u32 s19, $0x2;
	s4 =	sadd.s32 $0x1200, s4;
	s11 =	smax.u32 s16, $0x1  }
0xf: {  	s18 =	sshrl.u32 s12, $0x3;
	s20 =	sadd.s32 s0, s6;
	s8 =	sor.u32 s10, s8  }
0x10: {  	s9 =	sadd.s32 s0, s18;
	[dreg:$0x6] =	wrdreg s20;
	s10 =	sadd.s32 s24, s1  }
0x11: {  	s0 =	sadd.s32 s5, s0;
	s24 =	sadd.s32 s25, s4;
	s25 =	simm.s32 $0x2780  }
0x12: {  	s20 =	simm.s32 $0x1;
	s4 =	simm.s32 $0x0;
	s8 =	sadd.s32 $0x4F000, s8  }
0x13: {  	s21 =	sadd.s32 $0x500, s9;
	s22 =	sadd.s32 $0xA00, s9;
	s23 =	sadd.s32 $0x26700, s9  }
0x14: {  	s9 =	sadd.s32 $0x26C00, s9;
	s12 =	sadd.s32 $0x2800, s10;
	s13 =	sadd.s32 $0x5000, s10  }
0x15: {  	s14 =	sadd.s32 $0x7800, s10;
	s15 =	sadd.s32 $0xA000, s10;
	s16 =	sadd.s32 $0xC800, s10  }
0x16: {  	s17 =	sadd.s32 $0xF000, s10;
	s18 =	sadd.s32 $0x11800, s10;
	[dreg:$0x7] =	wrdreg s21  }
0x17: {  	s19 =	sadd.s32 s26, s0;
	s26 =	simm.s32 $0x8;
	[dreg:$0x8] =	wrdreg s22  }
0x18: {  	s0 =	simm.s32 $0x5;
	s8 =	sshrl.u32 s8, $0x3;
	[dreg:$0x9] =	wrdreg s23  }
0x19: {  	s22 =	simm.s32 $0x4F80;
	s23 =	simm.s32 $0x7780;
	s2 =	sadd.s32 s2, s8  }
0x1a: {  	v0 =	vimm.f32 $0.0e+00;
	s21 =	simm.s32 $0x4;
	[dreg:$0x5] =	wrdreg s2;
	s2 =	simm.s32 $0x6  }
.LBB2_1:
0x1b: {  	s5 =	rddreg [dreg:$0x5];
	s6 =	simm.s32 $0x80;
	s7 =	simm.s32 $0x400  }
0x1c: {  	[tilespmem:s3], [sflag:$0x7] =	stream.strided.gather [hbm4b:s5+s6], $0x2780, s7, s6, $0x38;
	[tilespmem:$0x1DF80] =	vst v63  }
0x1d: {  	s7 =	rddreg [dreg:$0x6]  }
0x1e: {  	[tilespmem:s22], [sflag:$0x2] =	stream.linear.gather [hbm4b:s7+s3], $0x2800, $0x38;
	[tilespmem:$0x1DF80] =	vst v63  }
0x1f: {  	s8 =	rddreg [dreg:$0x7];
	s5 =	simm.s32 $0x70;
	s6 =	simm.s32 $0x3C0  }
0x20: {  	[tilespmem:s23], [sflag:$0x3] =	stream.linear.gather [hbm4b:s8+s3], $0x2800, $0x38;
	[tilespmem:$0x1DF80] =	vst v63  }
.LBB2_2:
0x21: {  	p0 =	sne.s32 s6, $0x9FC0;
	[tilespmem:s5+$0x2780] =	vst v0  }
0x22: {  	[tilespmem:s5+$0x2710] =	vst v0  }
0x23: {  	[tilespmem:s5+$0x2720] =	vst v0  }
.Ltmp0:
0x24: {  	[tilespmem:s5+$0x2730] =	vst v0;
	(pc) =	sbr.rel @p0 .LBB2_2-.Ltmp0, $4  }
0x25: {  	[tilespmem:s5+$0x2740] =	vst v0  }
0x26: {  	[tilespmem:s5+$0x2750] =	vst v0  }
0x27: {  	[tilespmem:s5+$0x2760] =	vst v0  }
0x28: {  	[tilespmem:s5+$0x2770] =	vst v0;
	s5 =	sshra.s32 s6, $0x2;
	s6 =	sadd.s32 $0x200, s6  }
0x29: {  	[tilespmem:s5+$0x2780] =	vst v0  }
0x2a: {  	[tilespmem:s5+$0x2710] =	vst v0  }
0x2b: {  	[tilespmem:s5+$0x2720] =	vst v0  }
0x2c: {  	[tilespmem:s5+$0x2730] =	vst v0  }
0x2d: {  	[tilespmem:s5+$0x2740] =	vst v0  }
0x2e: {  	[tilespmem:s5+$0x2750] =	vst v0  }
0x2f: {  	[tilespmem:s5+$0x2760] =	vst v0  }
0x30: {  	[tilespmem:s5+$0x2770] =	vst v0  }
0x31: {  	[spmem:s10] =	stream.linear.scatter [tilespmem:s25], [sflag:$0x8], $0x2800, $0x38;
	[tilespmem:$0x1DF80] =	vst v63  }
0x32: {  	_ =	swait.ge [sflag:s26], $0x2800  }
0x33: {  	[sflag:s26] =	ssyncset.done $0x0  }
0x34: {  	[sflag:s26] =	ssyncadd.s32 $0xFFFFD800  }
0x35: {  	[spmem:s12] =	stream.linear.scatter [tilespmem:s25], [sflag:$0x8], $0x2800, $0x38;
	[tilespmem:$0x1DF80] =	vst v63  }
0x36: {  	_ =	swait.ge [sflag:s26], $0x2800  }
0x37: {  	[sflag:s26] =	ssyncset.done $0x0  }
0x38: {  	[sflag:s26] =	ssyncadd.s32 $0xFFFFD800  }
0x39: {  	[spmem:s13] =	stream.linear.scatter [tilespmem:s25], [sflag:$0x8], $0x2800, $0x38;
	[tilespmem:$0x1DF80] =	vst v63  }
0x3a: {  	_ =	swait.ge [sflag:s26], $0x2800  }
0x3b: {  	[sflag:s26] =	ssyncset.done $0x0  }
0x3c: {  	[sflag:s26] =	ssyncadd.s32 $0xFFFFD800  }
0x3d: {  	[spmem:s14] =	stream.linear.scatter [tilespmem:s25], [sflag:$0x8], $0x2800, $0x38;
	[tilespmem:$0x1DF80] =	vst v63  }
0x3e: {  	_ =	swait.ge [sflag:s26], $0x2800  }
0x3f: {  	[sflag:s26] =	ssyncset.done $0x0  }
0x40: {  	[sflag:s26] =	ssyncadd.s32 $0xFFFFD800  }
0x41: {  	[spmem:s15] =	stream.linear.scatter [tilespmem:s25], [sflag:$0x8], $0x2800, $0x38;
	[tilespmem:$0x1DF80] =	vst v63  }
0x42: {  	_ =	swait.ge [sflag:s26], $0x2800  }
0x43: {  	[sflag:s26] =	ssyncset.done $0x0  }
0x44: {  	[sflag:s26] =	ssyncadd.s32 $0xFFFFD800  }
0x45: {  	[spmem:s16] =	stream.linear.scatter [tilespmem:s25], [sflag:$0x8], $0x2800, $0x38;
	[tilespmem:$0x1DF80] =	vst v63  }
0x46: {  	_ =	swait.ge [sflag:s26], $0x2800  }
0x47: {  	[sflag:s26] =	ssyncset.done $0x0  }
0x48: {  	[sflag:s26] =	ssyncadd.s32 $0xFFFFD800  }
0x49: {  	[spmem:s17] =	stream.linear.scatter [tilespmem:s25], [sflag:$0x8], $0x2800, $0x38;
	[tilespmem:$0x1DF80] =	vst v63  }
0x4a: {  	_ =	swait.ge [sflag:s26], $0x2800  }
0x4b: {  	[sflag:s26] =	ssyncset.done $0x0  }
0x4c: {  	[sflag:s26] =	ssyncadd.s32 $0xFFFFD800  }
0x4d: {  	[spmem:s18] =	stream.linear.scatter [tilespmem:s25], [sflag:$0x8], $0x2800, $0x38;
	[tilespmem:$0x1DF80] =	vst v63  }
0x4e: {  	_ =	swait.ge [sflag:s26], $0x2800  }
0x4f: {  	[sflag:s26] =	ssyncset.done $0x0  }
0x50: {  	[sflag:s26] =	ssyncadd.s32 $0xFFFFD800  }
0x51: {  	_ =	swait.ge [sflag:s28], $0x2780  }
0x52: {  	[sflag:s28] =	ssyncset.done $0x0  }
0x53: {  	[sflag:s28] =	ssyncadd.s32 $0xFFFFD880  }
0x54: {  	[bflag:$0x0] =	sbarrier.arrive $0xFFFF  }
0x55: {  	s8 =	simm.s32 $0x0;
	s6 =	rddreg [dreg:$0x8]  }
0x56: {  	[tilespmem:s25], [sflag:$0x1] =	stream.linear.gather [hbm4b:s6+s8], $0x2800, $0x38;
	[tilespmem:$0x1DF80] =	vst v63  }
0x57: {  	_ =	swait.ge [sflag:s29], $0x2800  }
0x58: {  	[sflag:s29] =	ssyncset.done $0x0  }
0x59: {  	[sflag:s29] =	ssyncadd.s32 $0xFFFFD800  }
0x5a: {  	[spmem:s1] =	stream.indirect.scatter.add.f32 [tilespmem:s22], [sflag:$0x5], $0x80, s8, s30, $0xb8;
	[tilespmem:$0x1DF80] =	vst v63  }
0x5b: {  	_ =	swait.ge [sflag:s31], $0x2800  }
0x5c: {  	[sflag:s31] =	ssyncset.done $0x0  }
0x5d: {  	s6 =	simm.s32 $0x50;
	[sflag:s31] =	ssyncadd.s32 $0xFFFFD800  }
0x5e: {  	[spmem:s1] =	stream.indirect.scatter.add.f32 [tilespmem:s23], [sflag:$0x6], $0x80, s6, s30, $0xb8;
	[tilespmem:$0x1DF80] =	vst v63  }
0x5f: {  	_ =	swait.ge [sflag:s0], $0x2800  }
0x60: {  	s6 =	sadd.s32 $0x0, s19;
	[sflag:s0] =	ssyncset.done $0x0  }
0x61: {  	s7 =	sadd.s32 $0xF00, s6;
	[sflag:s0] =	ssyncadd.s32 $0xFFFFD800  }
0x62: {  	[tilespmem:s22], [sflag:$0x2] =	stream.linear.gather [hbm4b:s7+s3], $0x2800, $0x38;
	[tilespmem:$0x1DF80] =	vst v63  }
0x63: {  	_ =	swait.ge [sflag:s20], $0x2800  }
0x64: {  	[sflag:s20] =	ssyncset.done $0x0  }
0x65: {  	s8 =	simm.s32 $0xA0;
	[sflag:s20] =	ssyncadd.s32 $0xFFFFD800  }
0x66: {  	[spmem:s1] =	stream.indirect.scatter.add.f32 [tilespmem:s25], [sflag:$0x4], $0x80, s8, s30, $0xb8;
	[tilespmem:$0x1DF80] =	vst v63  }
0x67: {  	_ =	swait.ge [sflag:s2], $0x2800  }
0x68: {  	[sflag:s2] =	ssyncset.done $0x0  }
0x69: {  	s7 =	sadd.s32 $0x1400, s6;
	[sflag:s2] =	ssyncadd.s32 $0xFFFFD800  }
0x6a: {  	[tilespmem:s23], [sflag:$0x3] =	stream.linear.gather [hbm4b:s7+s3], $0x2800, $0x38;
	[tilespmem:$0x1DF80] =	vst v63  }
0x6b: {  	_ =	swait.ge [sflag:s29], $0x2800  }
0x6c: {  	[sflag:s29] =	ssyncset.done $0x0  }
0x6d: {  	s8 =	simm.s32 $0xF0;
	[sflag:s29] =	ssyncadd.s32 $0xFFFFD800  }
0x6e: {  	[spmem:s1] =	stream.indirect.scatter.add.f32 [tilespmem:s22], [sflag:$0x5], $0x80, s8, s30, $0xb8;
	[tilespmem:$0x1DF80] =	vst v63  }
0x6f: {  	_ =	swait.ge [sflag:s21], $0x2800  }
0x70: {  	s5 =	simm.s32 $0xF00;
	[sflag:s21] =	ssyncset.done $0x0  }
0x71: {  	s7 =	sadd.s32 $0x1900, s6;
	s6 =	simm.s32 $0x1E0;
	[sflag:s21] =	ssyncadd.s32 $0xFFFFD800  }
.LBB2_4:
0x72: {  	[tilespmem:s25], [sflag:$0x1] =	stream.linear.gather [hbm4b:s7+s3], $0x2800, $0x38;
	[tilespmem:$0x1DF80] =	vst v63  }
0x73: {  	s7 =	smov.u32 s5  }
0x74: {  	p0 =	sne.s32 s5, $0x24900;
	s5 =	sadd.s32 $0xF00, s5;
	_ =	swait.ge [sflag:s31], $0x2800  }
0x75: {  	[sflag:s31] =	ssyncset.done $0x0  }
0x76: {  	s8 =	sadd.s32 $0xFFFFFF60, s6;
	[sflag:s31] =	ssyncadd.s32 $0xFFFFD800  }
0x77: {  	[spmem:s1] =	stream.indirect.scatter.add.f32 [tilespmem:s23], [sflag:$0x6], $0x80, s8, s30, $0xb8;
	[tilespmem:$0x1DF80] =	vst v63  }
0x78: {  	_ =	swait.ge [sflag:s0], $0x2800  }
0x79: {  	s7 =	sadd.s32 s7, s19;
	[sflag:s0] =	ssyncset.done $0x0  }
0x7a: {  	s8 =	sadd.s32 $0xF00, s7;
	[sflag:s0] =	ssyncadd.s32 $0xFFFFD800  }
0x7b: {  	[tilespmem:s22], [sflag:$0x2] =	stream.linear.gather [hbm4b:s8+s3], $0x2800, $0x38;
	[tilespmem:$0x1DF80] =	vst v63  }
0x7c: {  	_ =	swait.ge [sflag:s20], $0x2800  }
0x7d: {  	[sflag:s20] =	ssyncset.done $0x0  }
0x7e: {  	s8 =	sadd.s32 $0xFFFFFFB0, s6;
	[sflag:s20] =	ssyncadd.s32 $0xFFFFD800  }
0x7f: {  	[spmem:s1] =	stream.indirect.scatter.add.f32 [tilespmem:s25], [sflag:$0x4], $0x80, s8, s30, $0xb8;
	[tilespmem:$0x1DF80] =	vst v63  }
0x80: {  	_ =	swait.ge [sflag:s2], $0x2800  }
0x81: {  	[sflag:s2] =	ssyncset.done $0x0  }
0x82: {  	s8 =	sadd.s32 $0x1400, s7;
	[sflag:s2] =	ssyncadd.s32 $0xFFFFD800  }
0x83: {  	[tilespmem:s23], [sflag:$0x3] =	stream.linear.gather [hbm4b:s8+s3], $0x2800, $0x38;
	[tilespmem:$0x1DF80] =	vst v63  }
0x84: {  	_ =	swait.ge [sflag:s29], $0x2800  }
0x85: {  	[sflag:s29] =	ssyncset.done $0x0  }
.Ltmp1:
0x86: {  	[sflag:s29] =	ssyncadd.s32 $0xFFFFD800;
	(pc) =	sbr.rel @p0 .LBB2_4-.Ltmp1, $4  }
0x87: {  	[spmem:s1] =	stream.indirect.scatter.add.f32 [tilespmem:s22], [sflag:$0x5], $0x80, s6, s30, $0xb8;
	[tilespmem:$0x1DF80] =	vst v63  }
0x88: {  	_ =	swait.ge [sflag:s21], $0x2800  }
0x89: {  	[sflag:s21] =	ssyncset.done $0x0  }
0x8a: {  	s7 =	sadd.s32 $0x1900, s7;
	s6 =	sadd.s32 $0xF0, s6;
	[sflag:s21] =	ssyncadd.s32 $0xFFFFD800  }
0x8b: {  	[tilespmem:s25], [sflag:$0x1] =	stream.linear.gather [hbm4b:s7+s3], $0x2800, $0x38;
	[tilespmem:$0x1DF80] =	vst v63  }
0x8c: {  	_ =	swait.ge [sflag:s31], $0x2800  }
0x8d: {  	[sflag:s31] =	ssyncset.done $0x0  }
0x8e: {  	s5 =	simm.s32 $0x25D0;
	[sflag:s31] =	ssyncadd.s32 $0xFFFFD800  }
0x8f: {  	[spmem:s1] =	stream.indirect.scatter.add.f32 [tilespmem:s23], [sflag:$0x6], $0x80, s5, s30, $0xb8;
	[tilespmem:$0x1DF80] =	vst v63  }
0x90: {  	_ =	swait.ge [sflag:s0], $0x2800  }
0x91: {  	[sflag:s0] =	ssyncset.done $0x0  }
0x92: {  	s7 =	rddreg [dreg:$0x9];
	[sflag:s0] =	ssyncadd.s32 $0xFFFFD800  }
0x93: {  	[tilespmem:s22], [sflag:$0x2] =	stream.linear.gather [hbm4b:s7+s3], $0x2800, $0x38;
	[tilespmem:$0x1DF80] =	vst v63  }
0x94: {  	_ =	swait.ge [sflag:s20], $0x2800  }
0x95: {  	[sflag:s20] =	ssyncset.done $0x0  }
0x96: {  	s8 =	simm.s32 $0x2620;
	[sflag:s20] =	ssyncadd.s32 $0xFFFFD800  }
0x97: {  	[spmem:s1] =	stream.indirect.scatter.add.f32 [tilespmem:s25], [sflag:$0x4], $0x80, s8, s30, $0xb8;
	[tilespmem:$0x1DF80] =	vst v63  }
0x98: {  	_ =	swait.ge [sflag:s2], $0x2800  }
0x99: {  	[sflag:s2] =	ssyncset.done $0x0  }
0x9a: {  	[sflag:s2] =	ssyncadd.s32 $0xFFFFD800  }
0x9b: {  	[tilespmem:s23], [sflag:$0x3] =	stream.linear.gather [hbm4b:s9+s3], $0x2800, $0x38;
	[tilespmem:$0x1DF80] =	vst v63  }
0x9c: {  	_ =	swait.ge [sflag:s29], $0x2800  }
0x9d: {  	[sflag:s29] =	ssyncset.done $0x0  }
0x9e: {  	s6 =	simm.s32 $0x2670;
	[sflag:s29] =	ssyncadd.s32 $0xFFFFD800  }
0x9f: {  	[spmem:s1] =	stream.indirect.scatter.add.f32 [tilespmem:s22], [sflag:$0x5], $0x80, s6, s30, $0xb8;
	[tilespmem:$0x1DF80] =	vst v63  }
0xa0: {  	_ =	swait.ge [sflag:s21], $0x2800  }
0xa1: {  	[sflag:s21] =	ssyncset.done $0x0  }
0xa2: {  	[sflag:s21] =	ssyncadd.s32 $0xFFFFD800  }
0xa3: {  	_ =	swait.ge [sflag:s31], $0x2800  }
0xa4: {  	[sflag:s31] =	ssyncset.done $0x0  }
0xa5: {  	s7 =	simm.s32 $0x26C0;
	[sflag:s31] =	ssyncadd.s32 $0xFFFFD800  }
0xa6: {  	[spmem:s1] =	stream.indirect.scatter.add.f32 [tilespmem:s23], [sflag:$0x6], $0x80, s7, s30, $0xb8;
	[tilespmem:$0x1DF80] =	vst v63  }
0xa7: {  	_ =	swait.ge [sflag:s0], $0x2800  }
0xa8: {  	[sflag:s0] =	ssyncset.done $0x0  }
0xa9: {  	[sflag:s0] =	ssyncadd.s32 $0xFFFFD800  }
0xaa: {  	s8 =	stileid.u32;
	_ =	swait.ge [sflag:s2], $0x2800  }
0xab: {  	s4 =	sadd.s32 $0x1, s4;
	s5 =	sshll.u32 s8, $0x6;
	[sflag:s2] =	ssyncset.done $0x0  }
0xac: {  	p0 =	sne.s32 s4, s11;
	s5 =	sor.u32 $0x1C08, s5;
	[sflag:s2] =	ssyncadd.s32 $0xFFFFD800  }
.Ltmp2:
0xad: {  	s6 =	sshrl.u32 s10, $0x3;
	[bflag:$0x0] =	sbarrier.arrive $0xFFFF;
	(pc) =	sbr.rel @p0 .LBB2_1-.Ltmp2, $4  }
0xae: {  	[hbm:s24], [sflag:s5] =	dma.local [spmem:s6], $0x2800  }
0xaf: {  	_ =	swait.ge [sflag:s26], $0x2800  }
0xb0: {  	[sflag:s26] =	ssyncset.done $0x0  }
0xb1: {  	[sflag:s26] =	ssyncadd.s32 $0xFFFFD800  }
0xb2: {  	_ =	sfence.sel $0x180000  }
0xb3: {  	[bflag:$0x0] =	sbarrier.arrive $0xFFFF  }
0xb4: {  	_ =	strace $0x90000047  }
0xb5: {  	s0 =	stileid.u32;
	[bflag:$0x2] =	sbarrier.arrive $0xFFFF  }
0xb6: {  	p0 =	sne.s32 s0, $0x0;
	s0 =	rddreg [dreg:$0x4]  }
0xb7: {  	s0 =	sadd.s32 @!p0 $0x100000, s0  }
0xb8: {  	[sflag:s0] =	ssyncadd.tile.s32 @!p0 $0x1;
	_ =	shalt  }
.Lfunc_end2:
_tile_overlayer_lowered:
.L_overlay_start_2:
0xb9: {  	(tag) =	ssettag $0x2  }
0xba: {  	s0 =	rddreg [dreg:$0x0];
	s2 =	stileid.u32  }
0xbb: {  	s1 =	rddreg [dreg:$0x1];
	p0 =	sne.s32 s2, $0x0  }
0xbc: {  	s3 =	rddreg [dreg:$0x2];
	[bflag:$0x3] =	sbarrier.arrive $0xFFFF;
	s2 =	simm.s32 @!p0 $0x1C08  }
0xbd: {  	[timem:s3], [sflag:s2] =	dma.local @!p0 [hbm:s0], s1  }
0xbe: {  	s0 =	simm.s32 @!p0 $0x8  }
0xbf: {  	_ =	swait.ge @!p0 [sflag:s0], s1  }
0xc0: {  	s1 =	ssub.s32 @!p0 $0x0, s1;
	[sflag:s0] =	ssyncset.done @!p0 $0x0  }
0xc1: {  	[sflag:s0] =	ssyncadd.s32 @!p0 s1  }
0xc2: {  	[bflag:$0x3] =	sbarrier.arrive $0xFFFF  }
0xc3: {  	_ =	shalt  }

</sc_bundles>
